<compile_context>
chip_gen: v7x
topology: tpu7x:2x2x1
jax: 0.10.2.dev20260603
libtpu: 0.0.44.dev20260713+nightly
codegen_flags: <defaults>
</compile_context>

<pallas_src>
import jax
import jax.numpy as jnp
from jax import lax
from jax.experimental import pallas as pl
from jax.experimental.pallas import tpu as pltpu
from jax.experimental.pallas import tpu_sc as plsc

_L = 4096
_D = 1024
_NC = 2
_NS = 16
_ROWS_PER_C = _L // _NC
_S_ROWS = 1024
_T_ROWS = _ROWS_PER_C - _S_ROWS
_T_PER_TILE = _T_ROWS // _NS

_S_CHUNK = 256
_S_NCHUNK = _S_ROWS // _S_CHUNK
_S_NBUF = 4

_T_CHUNK = 16
_T_NCHUNK = _T_PER_TILE // _T_CHUNK
_T_NBUF = 4


def _pipeline(src_slab, dst_slab, buf, in_sems, out_sems, nchunk, nbuf, chunk):
    outs = [None] * nchunk
    ins = [None] * nchunk
    out_waited = [False] * nchunk
    for c in range(min(nbuf, nchunk)):
        ins[c] = pltpu.make_async_copy(src_slab(c), buf.at[c % nbuf], in_sems[c % nbuf])
        ins[c].start()
    for c in range(nchunk):
        b = c % nbuf
        ins[c].wait()
        outs[c] = pltpu.make_async_copy(buf.at[b], dst_slab(c), out_sems[b])
        outs[c].start()
        d = c - min(2, nbuf - 1)
        if d >= 0 and d + nbuf < nchunk:
            outs[d].wait()
            out_waited[d] = True
            nb = (d + nbuf) % nbuf
            ins[d + nbuf] = pltpu.make_async_copy(
                src_slab(d + nbuf), buf.at[nb], in_sems[nb]
            )
            ins[d + nbuf].start()
    for c in range(nchunk):
        if not out_waited[c]:
            outs[c].wait()


def _make_copy_kernel():
    s_mesh = plsc.ScalarSubcoreMesh(axis_name="c", num_cores=_NC)
    v_mesh = plsc.VectorSubcoreMesh(core_axis_name="c", subcore_axis_name="s", num_cores=_NC)

    def scs_fn(pe_hbm, out_hbm, s_buf, v_buf, *sems):
        del v_buf
        in_sems = sems[:_S_NBUF]
        out_sems = sems[_S_NBUF:2 * _S_NBUF]
        cid = lax.axis_index("c")
        base = cid * _ROWS_PER_C
        _pipeline(
            lambda c: pe_hbm.at[pl.ds(base + c * _S_CHUNK, _S_CHUNK)],
            lambda c: out_hbm.at[0, pl.ds(base + c * _S_CHUNK, _S_CHUNK)],
            s_buf, in_sems, out_sems, _S_NCHUNK, _S_NBUF, _S_CHUNK,
        )

    def tec_fn(pe_hbm, out_hbm, s_buf, v_buf, *sems):
        del s_buf
        in_sems = sems[2 * _S_NBUF:2 * _S_NBUF + _T_NBUF]
        out_sems = sems[2 * _S_NBUF + _T_NBUF:]
        cid = lax.axis_index("c")
        sid = lax.axis_index("s")
        base = cid * _ROWS_PER_C + _S_ROWS + sid * _T_PER_TILE
        _pipeline(
            lambda c: pe_hbm.at[pl.ds(base + c * _T_CHUNK, _T_CHUNK)],
            lambda c: out_hbm.at[0, pl.ds(base + c * _T_CHUNK, _T_CHUNK)],
            v_buf, in_sems, out_sems, _T_NCHUNK, _T_NBUF, _T_CHUNK,
        )

    return pl.kernel(
        body=[scs_fn, tec_fn],
        mesh=[s_mesh, v_mesh],
        out_type=jax.ShapeDtypeStruct((1, _L, _D), jnp.float32),
        scratch_types=(
            [
                pltpu.VMEM_SHARED((_S_NBUF, _S_CHUNK, _D), jnp.float32),
                (pltpu.VMEM @ v_mesh)((_T_NBUF, _T_CHUNK, _D), jnp.float32),
            ]
            + [pltpu.SemaphoreType.DMA @ s_mesh] * (2 * _S_NBUF)
            + [pltpu.SemaphoreType.DMA @ v_mesh] * (2 * _T_NBUF)
        ),
    )


_copy_kernel = _make_copy_kernel()


def kernel(x, pe):
    return _copy_kernel(pe)

# --- scband reference (transcript-rebuilt; emitter-appended) ---
"""Pipeline reference for scband-pos-embeddings-35424890258008 (READ-ONLY COPY).

The authoritative reference and input builder live on the scoring server;
editing this copy changes nothing except your own understanding.
"""

import jax, jax.numpy as jnp
import numpy as np
import math

PARA_LIMIT = 4096
HIDDEN_SIZE = 1024

def _build_pe():
    pe = np.zeros((PARA_LIMIT + 1, HIDDEN_SIZE), dtype=np.float32)
    position = np.arange(0, PARA_LIMIT, dtype=np.float32)[:, None]
    div_term = np.exp(np.arange(0, HIDDEN_SIZE, 2).astype(np.float32) * (-math.log(10000.0) / HIDDEN_SIZE))
    pe[1:, 0::2] = np.sin(position * div_term)
    pe[1:, 1::2] = np.cos(position * div_term)
    return jnp.asarray(pe)

def setup_inputs(seed: int = 0) -> dict:
    key = jax.random.key(seed)
    x = jax.random.normal(key, (4, 4096), dtype=jnp.float32)
    pe = _build_pe()
    return {"x": x, "pe": pe}

def reference(x, pe):
    # PosEmbeddings.forward: emb(arange(x.size(1))).unsqueeze(0)
    L = x.shape[1]
    idx = jnp.arange(L)
    pos_emb = jnp.take(pe, idx, axis=0)  # embedding lookup (gather)
    return pos_emb[None, :, :]

if __name__ == "__main__":
    import jax
    _d = setup_inputs()
    print(jax.jit(kernel)(*tuple(_d.values())))

</pallas_src>

<mosaic_0001>
#map = affine_map<(d0) -> (0, 0)>
#map1 = affine_map<(d0) -> (0, 0, 0)>
#map2 = affine_map<(d0, d1) -> (0, 0)>
#map3 = affine_map<(d0, d1) -> (0, 0, 0)>
module attributes {stable_mosaic.version = 14 : i64} {
  func.func @scs_fn(%arg0: i32, %arg1: memref<4097x1024xf32, #tpu.memory_space<hbm>>, %arg2: memref<1x4096x1024xf32, #tpu.memory_space<hbm>>, %arg3: memref<4x256x1024xf32, #tpu.memory_space<vmem_shared>>, %arg4: memref<4x16x1024xf32, #tpu.memory_space<vmem, sc_vector_subcore>>, %arg5: memref<!tpu.dma_semaphore, #tpu.memory_space<semaphore_mem>>, %arg6: memref<!tpu.dma_semaphore, #tpu.memory_space<semaphore_mem>>, %arg7: memref<!tpu.dma_semaphore, #tpu.memory_space<semaphore_mem>>, %arg8: memref<!tpu.dma_semaphore, #tpu.memory_space<semaphore_mem>>, %arg9: memref<!tpu.dma_semaphore, #tpu.memory_space<semaphore_mem>>, %arg10: memref<!tpu.dma_semaphore, #tpu.memory_space<semaphore_mem>>, %arg11: memref<!tpu.dma_semaphore, #tpu.memory_space<semaphore_mem>>, %arg12: memref<!tpu.dma_semaphore, #tpu.memory_space<semaphore_mem>>, %arg13: memref<!tpu.dma_semaphore, #tpu.memory_space<semaphore_mem, sc_vector_subcore>>, %arg14: memref<!tpu.dma_semaphore, #tpu.memory_space<semaphore_mem, sc_vector_subcore>>, %arg15: memref<!tpu.dma_semaphore, #tpu.memory_space<semaphore_mem, sc_vector_subcore>>, %arg16: memref<!tpu.dma_semaphore, #tpu.memory_space<semaphore_mem, sc_vector_subcore>>, %arg17: memref<!tpu.dma_semaphore, #tpu.memory_space<semaphore_mem, sc_vector_subcore>>, %arg18: memref<!tpu.dma_semaphore, #tpu.memory_space<semaphore_mem, sc_vector_subcore>>, %arg19: memref<!tpu.dma_semaphore, #tpu.memory_space<semaphore_mem, sc_vector_subcore>>, %arg20: memref<!tpu.dma_semaphore, #tpu.memory_space<semaphore_mem, sc_vector_subcore>>) attributes {dimension_semantics = [#tpu.dimension_semantics<core_parallel>], iteration_bounds = array<i64: 2>, scalar_prefetch = 0 : i64, scratch_operands = 18 : i64, tpu.core_type = #tpu.core_type<sc_scalar_subcore>, window_params = [{transform_indices = #map}, {transform_indices = #map1}]} {
    %mul3A = arith.constant 2048 : i32
    %mul3A_0 = arith.muli %arg0, %mul3A : i32
    %add3A = arith.constant 0 : i32
    %add3A_1 = arith.addi %mul3A_0, %add3A : i32
    %dma_start3A = arith.constant 0 : i32
    %dma_start3A_2 = arith.constant 0 : i32
    %dma_start3A_3 = arith.constant 0 : i32
    %dma_start3A_4 = tpu.memref_slice %arg3[%dma_start3A, %dma_start3A_2, %dma_start3A_3] : memref<4x256x1024xf32, #tpu.memory_space<vmem_shared>> -> memref<1x256x1024xf32, #tpu.memory_space<vmem_shared>>
    %dma_start3A_5 = tpu.memref_squeeze %dma_start3A_4 : memref<1x256x1024xf32, #tpu.memory_space<vmem_shared>> -> memref<256x1024xf32, #tpu.memory_space<vmem_shared>>
    %dma_start3A_6 = arith.constant 0 : i32
    %dma_start3A_7 = tpu.memref_slice %arg1[%add3A_1, %dma_start3A_6] : memref<4097x1024xf32, #tpu.memory_space<hbm>> -> memref<256x1024xf32, #tpu.memory_space<hbm>>
    tpu.enqueue_dma source(%dma_start3A_7 : memref<256x1024xf32, #tpu.memory_space<hbm>>) target(%dma_start3A_5 : memref<256x1024xf32, #tpu.memory_space<vmem_shared>>) target_semaphore(%arg5 : memref<!tpu.dma_semaphore, #tpu.memory_space<semaphore_mem>>)
    %add3A_8 = arith.constant 256 : i32
    %add3A_9 = arith.addi %mul3A_0, %add3A_8 : i32
    %dma_start3A_10 = arith.constant 1 : i32
    %dma_start3A_11 = arith.constant 0 : i32
    %dma_start3A_12 = arith.constant 0 : i32
    %dma_start3A_13 = tpu.memref_slice %arg3[%dma_start3A_10, %dma_start3A_11, %dma_start3A_12] : memref<4x256x1024xf32, #tpu.memory_space<vmem_shared>> -> memref<1x256x1024xf32, #tpu.memory_space<vmem_shared>>
    %dma_start3A_14 = tpu.memref_squeeze %dma_start3A_13 : memref<1x256x1024xf32, #tpu.memory_space<vmem_shared>> -> memref<256x1024xf32, #tpu.memory_space<vmem_shared>>
    %dma_start3A_15 = arith.constant 0 : i32
    %dma_start3A_16 = tpu.memref_slice %arg1[%add3A_9, %dma_start3A_15] : memref<4097x1024xf32, #tpu.memory_space<hbm>> -> memref<256x1024xf32, #tpu.memory_space<hbm>>
    tpu.enqueue_dma source(%dma_start3A_16 : memref<256x1024xf32, #tpu.memory_space<hbm>>) target(%dma_start3A_14 : memref<256x1024xf32, #tpu.memory_space<vmem_shared>>) target_semaphore(%arg6 : memref<!tpu.dma_semaphore, #tpu.memory_space<semaphore_mem>>)
    %add3A_17 = arith.constant 512 : i32
    %add3A_18 = arith.addi %mul3A_0, %add3A_17 : i32
    %dma_start3A_19 = arith.constant 2 : i32
    %dma_start3A_20 = arith.constant 0 : i32
    %dma_start3A_21 = arith.constant 0 : i32
    %dma_start3A_22 = tpu.memref_slice %arg3[%dma_start3A_19, %dma_start3A_20, %dma_start3A_21] : memref<4x256x1024xf32, #tpu.memory_space<vmem_shared>> -> memref<1x256x1024xf32, #tpu.memory_space<vmem_shared>>
    %dma_start3A_23 = tpu.memref_squeeze %dma_start3A_22 : memref<1x256x1024xf32, #tpu.memory_space<vmem_shared>> -> memref<256x1024xf32, #tpu.memory_space<vmem_shared>>
    %dma_start3A_24 = arith.constant 0 : i32
    %dma_start3A_25 = tpu.memref_slice %arg1[%add3A_18, %dma_start3A_24] : memref<4097x1024xf32, #tpu.memory_space<hbm>> -> memref<256x1024xf32, #tpu.memory_space<hbm>>
    tpu.enqueue_dma source(%dma_start3A_25 : memref<256x1024xf32, #tpu.memory_space<hbm>>) target(%dma_start3A_23 : memref<256x1024xf32, #tpu.memory_space<vmem_shared>>) target_semaphore(%arg7 : memref<!tpu.dma_semaphore, #tpu.memory_space<semaphore_mem>>)
    %add3A_26 = arith.constant 768 : i32
    %add3A_27 = arith.addi %mul3A_0, %add3A_26 : i32
    %dma_start3A_28 = arith.constant 3 : i32
    %dma_start3A_29 = arith.constant 0 : i32
    %dma_start3A_30 = arith.constant 0 : i32
    %dma_start3A_31 = tpu.memref_slice %arg3[%dma_start3A_28, %dma_start3A_29, %dma_start3A_30] : memref<4x256x1024xf32, #tpu.memory_space<vmem_shared>> -> memref<1x256x1024xf32, #tpu.memory_space<vmem_shared>>
    %dma_start3A_32 = tpu.memref_squeeze %dma_start3A_31 : memref<1x256x1024xf32, #tpu.memory_space<vmem_shared>> -> memref<256x1024xf32, #tpu.memory_space<vmem_shared>>
    %dma_start3A_33 = arith.constant 0 : i32
    %dma_start3A_34 = tpu.memref_slice %arg1[%add3A_27, %dma_start3A_33] : memref<4097x1024xf32, #tpu.memory_space<hbm>> -> memref<256x1024xf32, #tpu.memory_space<hbm>>
    tpu.enqueue_dma source(%dma_start3A_34 : memref<256x1024xf32, #tpu.memory_space<hbm>>) target(%dma_start3A_32 : memref<256x1024xf32, #tpu.memory_space<vmem_shared>>) target_semaphore(%arg8 : memref<!tpu.dma_semaphore, #tpu.memory_space<semaphore_mem>>)
    %dma_wait3A = arith.constant 0 : i32
    %dma_wait3A_35 = arith.constant 0 : i32
    %dma_wait3A_36 = arith.constant 0 : i32
    %dma_wait3A_37 = tpu.memref_slice %arg3[%dma_wait3A, %dma_wait3A_35, %dma_wait3A_36] : memref<4x256x1024xf32, #tpu.memory_space<vmem_shared>> -> memref<1x256x1024xf32, #tpu.memory_space<vmem_shared>>
    %dma_wait3A_38 = tpu.memref_squeeze %dma_wait3A_37 : memref<1x256x1024xf32, #tpu.memory_space<vmem_shared>> -> memref<256x1024xf32, #tpu.memory_space<vmem_shared>>
    %dma_wait3A_39 = arith.constant 0 : i32
    %dma_wait3A_40 = tpu.memref_slice %arg1[%add3A_1, %dma_wait3A_39] : memref<4097x1024xf32, #tpu.memory_space<hbm>> -> memref<256x1024xf32, #tpu.memory_space<hbm>>
    tpu.wait_dma2 semaphore(%arg5 : memref<!tpu.dma_semaphore, #tpu.memory_space<semaphore_mem>>) src(%dma_wait3A_40 : memref<256x1024xf32, #tpu.memory_space<hbm>>) dst(%dma_wait3A_38 : memref<256x1024xf32, #tpu.memory_space<vmem_shared>>)
    %add3A_41 = arith.constant 0 : i32
    %add3A_42 = arith.addi %mul3A_0, %add3A_41 : i32
    %dma_start3A_43 = arith.constant 0 : i32
    %dma_start3A_44 = arith.constant 0 : i32
    %dma_start3A_45 = arith.constant 0 : i32
    %dma_start3A_46 = tpu.memref_slice %arg2[%dma_start3A_44, %add3A_42, %dma_start3A_45] : memref<1x4096x1024xf32, #tpu.memory_space<hbm>> -> memref<1x256x1024xf32, #tpu.memory_space<hbm>>
    %dma_start3A_47 = tpu.memref_squeeze %dma_start3A_46 : memref<1x256x1024xf32, #tpu.memory_space<hbm>> -> memref<256x1024xf32, #tpu.memory_space<hbm>>
    %dma_start3A_48 = arith.constant 0 : i32
    %dma_start3A_49 = arith.constant 0 : i32
    %dma_start3A_50 = tpu.memref_slice %arg3[%dma_start3A_43, %dma_start3A_48, %dma_start3A_49] : memref<4x256x1024xf32, #tpu.memory_space<vmem_shared>> -> memref<1x256x1024xf32, #tpu.memory_space<vmem_shared>>
    %dma_start3A_51 = tpu.memref_squeeze %dma_start3A_50 : memref<1x256x1024xf32, #tpu.memory_space<vmem_shared>> -> memref<256x1024xf32, #tpu.memory_space<vmem_shared>>
    tpu.enqueue_dma source(%dma_start3A_51 : memref<256x1024xf32, #tpu.memory_space<vmem_shared>>) target(%dma_start3A_47 : memref<256x1024xf32, #tpu.memory_space<hbm>>) target_semaphore(%arg9 : memref<!tpu.dma_semaphore, #tpu.memory_space<semaphore_mem>>)
    %dma_wait3A_52 = arith.constant 1 : i32
    %dma_wait3A_53 = arith.constant 0 : i32
    %dma_wait3A_54 = arith.constant 0 : i32
    %dma_wait3A_55 = tpu.memref_slice %arg3[%dma_wait3A_52, %dma_wait3A_53, %dma_wait3A_54] : memref<4x256x1024xf32, #tpu.memory_space<vmem_shared>> -> memref<1x256x1024xf32, #tpu.memory_space<vmem_shared>>
    %dma_wait3A_56 = tpu.memref_squeeze %dma_wait3A_55 : memref<1x256x1024xf32, #tpu.memory_space<vmem_shared>> -> memref<256x1024xf32, #tpu.memory_space<vmem_shared>>
    %dma_wait3A_57 = arith.constant 0 : i32
    %dma_wait3A_58 = tpu.memref_slice %arg1[%add3A_9, %dma_wait3A_57] : memref<4097x1024xf32, #tpu.memory_space<hbm>> -> memref<256x1024xf32, #tpu.memory_space<hbm>>
    tpu.wait_dma2 semaphore(%arg6 : memref<!tpu.dma_semaphore, #tpu.memory_space<semaphore_mem>>) src(%dma_wait3A_58 : memref<256x1024xf32, #tpu.memory_space<hbm>>) dst(%dma_wait3A_56 : memref<256x1024xf32, #tpu.memory_space<vmem_shared>>)
    %add3A_59 = arith.constant 256 : i32
    %add3A_60 = arith.addi %mul3A_0, %add3A_59 : i32
    %dma_start3A_61 = arith.constant 1 : i32
    %dma_start3A_62 = arith.constant 0 : i32
    %dma_start3A_63 = arith.constant 0 : i32
    %dma_start3A_64 = tpu.memref_slice %arg2[%dma_start3A_62, %add3A_60, %dma_start3A_63] : memref<1x4096x1024xf32, #tpu.memory_space<hbm>> -> memref<1x256x1024xf32, #tpu.memory_space<hbm>>
    %dma_start3A_65 = tpu.memref_squeeze %dma_start3A_64 : memref<1x256x1024xf32, #tpu.memory_space<hbm>> -> memref<256x1024xf32, #tpu.memory_space<hbm>>
    %dma_start3A_66 = arith.constant 0 : i32
    %dma_start3A_67 = arith.constant 0 : i32
    %dma_start3A_68 = tpu.memref_slice %arg3[%dma_start3A_61, %dma_start3A_66, %dma_start3A_67] : memref<4x256x1024xf32, #tpu.memory_space<vmem_shared>> -> memref<1x256x1024xf32, #tpu.memory_space<vmem_shared>>
    %dma_start3A_69 = tpu.memref_squeeze %dma_start3A_68 : memref<1x256x1024xf32, #tpu.memory_space<vmem_shared>> -> memref<256x1024xf32, #tpu.memory_space<vmem_shared>>
    tpu.enqueue_dma source(%dma_start3A_69 : memref<256x1024xf32, #tpu.memory_space<vmem_shared>>) target(%dma_start3A_65 : memref<256x1024xf32, #tpu.memory_space<hbm>>) target_semaphore(%arg10 : memref<!tpu.dma_semaphore, #tpu.memory_space<semaphore_mem>>)
    %dma_wait3A_70 = arith.constant 2 : i32
    %dma_wait3A_71 = arith.constant 0 : i32
    %dma_wait3A_72 = arith.constant 0 : i32
    %dma_wait3A_73 = tpu.memref_slice %arg3[%dma_wait3A_70, %dma_wait3A_71, %dma_wait3A_72] : memref<4x256x1024xf32, #tpu.memory_space<vmem_shared>> -> memref<1x256x1024xf32, #tpu.memory_space<vmem_shared>>
    %dma_wait3A_74 = tpu.memref_squeeze %dma_wait3A_73 : memref<1x256x1024xf32, #tpu.memory_space<vmem_shared>> -> memref<256x1024xf32, #tpu.memory_space<vmem_shared>>
    %dma_wait3A_75 = arith.constant 0 : i32
    %dma_wait3A_76 = tpu.memref_slice %arg1[%add3A_18, %dma_wait3A_75] : memref<4097x1024xf32, #tpu.memory_space<hbm>> -> memref<256x1024xf32, #tpu.memory_space<hbm>>
    tpu.wait_dma2 semaphore(%arg7 : memref<!tpu.dma_semaphore, #tpu.memory_space<semaphore_mem>>) src(%dma_wait3A_76 : memref<256x1024xf32, #tpu.memory_space<hbm>>) dst(%dma_wait3A_74 : memref<256x1024xf32, #tpu.memory_space<vmem_shared>>)
    %add3A_77 = arith.constant 512 : i32
    %add3A_78 = arith.addi %mul3A_0, %add3A_77 : i32
    %dma_start3A_79 = arith.constant 2 : i32
    %dma_start3A_80 = arith.constant 0 : i32
    %dma_start3A_81 = arith.constant 0 : i32
    %dma_start3A_82 = tpu.memref_slice %arg2[%dma_start3A_80, %add3A_78, %dma_start3A_81] : memref<1x4096x1024xf32, #tpu.memory_space<hbm>> -> memref<1x256x1024xf32, #tpu.memory_space<hbm>>
    %dma_start3A_83 = tpu.memref_squeeze %dma_start3A_82 : memref<1x256x1024xf32, #tpu.memory_space<hbm>> -> memref<256x1024xf32, #tpu.memory_space<hbm>>
    %dma_start3A_84 = arith.constant 0 : i32
    %dma_start3A_85 = arith.constant 0 : i32
    %dma_start3A_86 = tpu.memref_slice %arg3[%dma_start3A_79, %dma_start3A_84, %dma_start3A_85] : memref<4x256x1024xf32, #tpu.memory_space<vmem_shared>> -> memref<1x256x1024xf32, #tpu.memory_space<vmem_shared>>
    %dma_start3A_87 = tpu.memref_squeeze %dma_start3A_86 : memref<1x256x1024xf32, #tpu.memory_space<vmem_shared>> -> memref<256x1024xf32, #tpu.memory_space<vmem_shared>>
    tpu.enqueue_dma source(%dma_start3A_87 : memref<256x1024xf32, #tpu.memory_space<vmem_shared>>) target(%dma_start3A_83 : memref<256x1024xf32, #tpu.memory_space<hbm>>) target_semaphore(%arg11 : memref<!tpu.dma_semaphore, #tpu.memory_space<semaphore_mem>>)
    %dma_wait3A_88 = arith.constant 3 : i32
    %dma_wait3A_89 = arith.constant 0 : i32
    %dma_wait3A_90 = arith.constant 0 : i32
    %dma_wait3A_91 = tpu.memref_slice %arg3[%dma_wait3A_88, %dma_wait3A_89, %dma_wait3A_90] : memref<4x256x1024xf32, #tpu.memory_space<vmem_shared>> -> memref<1x256x1024xf32, #tpu.memory_space<vmem_shared>>
    %dma_wait3A_92 = tpu.memref_squeeze %dma_wait3A_91 : memref<1x256x1024xf32, #tpu.memory_space<vmem_shared>> -> memref<256x1024xf32, #tpu.memory_space<vmem_shared>>
    %dma_wait3A_93 = arith.constant 0 : i32
    %dma_wait3A_94 = tpu.memref_slice %arg1[%add3A_27, %dma_wait3A_93] : memref<4097x1024xf32, #tpu.memory_space<hbm>> -> memref<256x1024xf32, #tpu.memory_space<hbm>>
    tpu.wait_dma2 semaphore(%arg8 : memref<!tpu.dma_semaphore, #tpu.memory_space<semaphore_mem>>) src(%dma_wait3A_94 : memref<256x1024xf32, #tpu.memory_space<hbm>>) dst(%dma_wait3A_92 : memref<256x1024xf32, #tpu.memory_space<vmem_shared>>)
    %add3A_95 = arith.constant 768 : i32
    %add3A_96 = arith.addi %mul3A_0, %add3A_95 : i32
    %dma_start3A_97 = arith.constant 3 : i32
    %dma_start3A_98 = arith.constant 0 : i32
    %dma_start3A_99 = arith.constant 0 : i32
    %dma_start3A_100 = tpu.memref_slice %arg2[%dma_start3A_98, %add3A_96, %dma_start3A_99] : memref<1x4096x1024xf32, #tpu.memory_space<hbm>> -> memref<1x256x1024xf32, #tpu.memory_space<hbm>>
    %dma_start3A_101 = tpu.memref_squeeze %dma_start3A_100 : memref<1x256x1024xf32, #tpu.memory_space<hbm>> -> memref<256x1024xf32, #tpu.memory_space<hbm>>
    %dma_start3A_102 = arith.constant 0 : i32
    %dma_start3A_103 = arith.constant 0 : i32
    %dma_start3A_104 = tpu.memref_slice %arg3[%dma_start3A_97, %dma_start3A_102, %dma_start3A_103] : memref<4x256x1024xf32, #tpu.memory_space<vmem_shared>> -> memref<1x256x1024xf32, #tpu.memory_space<vmem_shared>>
    %dma_start3A_105 = tpu.memref_squeeze %dma_start3A_104 : memref<1x256x1024xf32, #tpu.memory_space<vmem_shared>> -> memref<256x1024xf32, #tpu.memory_space<vmem_shared>>
    tpu.enqueue_dma source(%dma_start3A_105 : memref<256x1024xf32, #tpu.memory_space<vmem_shared>>) target(%dma_start3A_101 : memref<256x1024xf32, #tpu.memory_space<hbm>>) target_semaphore(%arg12 : memref<!tpu.dma_semaphore, #tpu.memory_space<semaphore_mem>>)
    %dma_wait3A_106 = arith.constant 0 : i32
    %dma_wait3A_107 = arith.constant 0 : i32
    %dma_wait3A_108 = arith.constant 0 : i32
    %dma_wait3A_109 = tpu.memref_slice %arg2[%dma_wait3A_107, %add3A_42, %dma_wait3A_108] : memref<1x4096x1024xf32, #tpu.memory_space<hbm>> -> memref<1x256x1024xf32, #tpu.memory_space<hbm>>
    %dma_wait3A_110 = tpu.memref_squeeze %dma_wait3A_109 : memref<1x256x1024xf32, #tpu.memory_space<hbm>> -> memref<256x1024xf32, #tpu.memory_space<hbm>>
    %dma_wait3A_111 = arith.constant 0 : i32
    %dma_wait3A_112 = arith.constant 0 : i32
    %dma_wait3A_113 = tpu.memref_slice %arg3[%dma_wait3A_106, %dma_wait3A_111, %dma_wait3A_112] : memref<4x256x1024xf32, #tpu.memory_space<vmem_shared>> -> memref<1x256x1024xf32, #tpu.memory_space<vmem_shared>>
    %dma_wait3A_114 = tpu.memref_squeeze %dma_wait3A_113 : memref<1x256x1024xf32, #tpu.memory_space<vmem_shared>> -> memref<256x1024xf32, #tpu.memory_space<vmem_shared>>
    tpu.wait_dma2 semaphore(%arg9 : memref<!tpu.dma_semaphore, #tpu.memory_space<semaphore_mem>>) src(%dma_wait3A_114 : memref<256x1024xf32, #tpu.memory_space<vmem_shared>>) dst(%dma_wait3A_110 : memref<256x1024xf32, #tpu.memory_space<hbm>>)
    %dma_wait3A_115 = arith.constant 1 : i32
    %dma_wait3A_116 = arith.constant 0 : i32
    %dma_wait3A_117 = arith.constant 0 : i32
    %dma_wait3A_118 = tpu.memref_slice %arg2[%dma_wait3A_116, %add3A_60, %dma_wait3A_117] : memref<1x4096x1024xf32, #tpu.memory_space<hbm>> -> memref<1x256x1024xf32, #tpu.memory_space<hbm>>
    %dma_wait3A_119 = tpu.memref_squeeze %dma_wait3A_118 : memref<1x256x1024xf32, #tpu.memory_space<hbm>> -> memref<256x1024xf32, #tpu.memory_space<hbm>>
    %dma_wait3A_120 = arith.constant 0 : i32
    %dma_wait3A_121 = arith.constant 0 : i32
    %dma_wait3A_122 = tpu.memref_slice %arg3[%dma_wait3A_115, %dma_wait3A_120, %dma_wait3A_121] : memref<4x256x1024xf32, #tpu.memory_space<vmem_shared>> -> memref<1x256x1024xf32, #tpu.memory_space<vmem_shared>>
    %dma_wait3A_123 = tpu.memref_squeeze %dma_wait3A_122 : memref<1x256x1024xf32, #tpu.memory_space<vmem_shared>> -> memref<256x1024xf32, #tpu.memory_space<vmem_shared>>
    tpu.wait_dma2 semaphore(%arg10 : memref<!tpu.dma_semaphore, #tpu.memory_space<semaphore_mem>>) src(%dma_wait3A_123 : memref<256x1024xf32, #tpu.memory_space<vmem_shared>>) dst(%dma_wait3A_119 : memref<256x1024xf32, #tpu.memory_space<hbm>>)
    %dma_wait3A_124 = arith.constant 2 : i32
    %dma_wait3A_125 = arith.constant 0 : i32
    %dma_wait3A_126 = arith.constant 0 : i32
    %dma_wait3A_127 = tpu.memref_slice %arg2[%dma_wait3A_125, %add3A_78, %dma_wait3A_126] : memref<1x4096x1024xf32, #tpu.memory_space<hbm>> -> memref<1x256x1024xf32, #tpu.memory_space<hbm>>
    %dma_wait3A_128 = tpu.memref_squeeze %dma_wait3A_127 : memref<1x256x1024xf32, #tpu.memory_space<hbm>> -> memref<256x1024xf32, #tpu.memory_space<hbm>>
    %dma_wait3A_129 = arith.constant 0 : i32
    %dma_wait3A_130 = arith.constant 0 : i32
    %dma_wait3A_131 = tpu.memref_slice %arg3[%dma_wait3A_124, %dma_wait3A_129, %dma_wait3A_130] : memref<4x256x1024xf32, #tpu.memory_space<vmem_shared>> -> memref<1x256x1024xf32, #tpu.memory_space<vmem_shared>>
    %dma_wait3A_132 = tpu.memref_squeeze %dma_wait3A_131 : memref<1x256x1024xf32, #tpu.memory_space<vmem_shared>> -> memref<256x1024xf32, #tpu.memory_space<vmem_shared>>
    tpu.wait_dma2 semaphore(%arg11 : memref<!tpu.dma_semaphore, #tpu.memory_space<semaphore_mem>>) src(%dma_wait3A_132 : memref<256x1024xf32, #tpu.memory_space<vmem_shared>>) dst(%dma_wait3A_128 : memref<256x1024xf32, #tpu.memory_space<hbm>>)
    %dma_wait3A_133 = arith.constant 3 : i32
    %dma_wait3A_134 = arith.constant 0 : i32
    %dma_wait3A_135 = arith.constant 0 : i32
    %dma_wait3A_136 = tpu.memref_slice %arg2[%dma_wait3A_134, %add3A_96, %dma_wait3A_135] : memref<1x4096x1024xf32, #tpu.memory_space<hbm>> -> memref<1x256x1024xf32, #tpu.memory_space<hbm>>
    %dma_wait3A_137 = tpu.memref_squeeze %dma_wait3A_136 : memref<1x256x1024xf32, #tpu.memory_space<hbm>> -> memref<256x1024xf32, #tpu.memory_space<hbm>>
    %dma_wait3A_138 = arith.constant 0 : i32
    %dma_wait3A_139 = arith.constant 0 : i32
    %dma_wait3A_140 = tpu.memref_slice %arg3[%dma_wait3A_133, %dma_wait3A_138, %dma_wait3A_139] : memref<4x256x1024xf32, #tpu.memory_space<vmem_shared>> -> memref<1x256x1024xf32, #tpu.memory_space<vmem_shared>>
    %dma_wait3A_141 = tpu.memref_squeeze %dma_wait3A_140 : memref<1x256x1024xf32, #tpu.memory_space<vmem_shared>> -> memref<256x1024xf32, #tpu.memory_space<vmem_shared>>
    tpu.wait_dma2 semaphore(%arg12 : memref<!tpu.dma_semaphore, #tpu.memory_space<semaphore_mem>>) src(%dma_wait3A_141 : memref<256x1024xf32, #tpu.memory_space<vmem_shared>>) dst(%dma_wait3A_137 : memref<256x1024xf32, #tpu.memory_space<hbm>>)
    return
  }
  func.func @tec_fn(%arg0: i32, %arg1: i32, %arg2: memref<4097x1024xf32, #tpu.memory_space<hbm>>, %arg3: memref<1x4096x1024xf32, #tpu.memory_space<hbm>>, %arg4: memref<4x256x1024xf32, #tpu.memory_space<vmem_shared>>, %arg5: memref<4x16x1024xf32, #tpu.memory_space<vmem>>, %arg6: memref<!tpu.dma_semaphore, #tpu.memory_space<semaphore_mem, sc_scalar_subcore>>, %arg7: memref<!tpu.dma_semaphore, #tpu.memory_space<semaphore_mem, sc_scalar_subcore>>, %arg8: memref<!tpu.dma_semaphore, #tpu.memory_space<semaphore_mem, sc_scalar_subcore>>, %arg9: memref<!tpu.dma_semaphore, #tpu.memory_space<semaphore_mem, sc_scalar_subcore>>, %arg10: memref<!tpu.dma_semaphore, #tpu.memory_space<semaphore_mem, sc_scalar_subcore>>, %arg11: memref<!tpu.dma_semaphore, #tpu.memory_space<semaphore_mem, sc_scalar_subcore>>, %arg12: memref<!tpu.dma_semaphore, #tpu.memory_space<semaphore_mem, sc_scalar_subcore>>, %arg13: memref<!tpu.dma_semaphore, #tpu.memory_space<semaphore_mem, sc_scalar_subcore>>, %arg14: memref<!tpu.dma_semaphore, #tpu.memory_space<semaphore_mem>>, %arg15: memref<!tpu.dma_semaphore, #tpu.memory_space<semaphore_mem>>, %arg16: memref<!tpu.dma_semaphore, #tpu.memory_space<semaphore_mem>>, %arg17: memref<!tpu.dma_semaphore, #tpu.memory_space<semaphore_mem>>, %arg18: memref<!tpu.dma_semaphore, #tpu.memory_space<semaphore_mem>>, %arg19: memref<!tpu.dma_semaphore, #tpu.memory_space<semaphore_mem>>, %arg20: memref<!tpu.dma_semaphore, #tpu.memory_space<semaphore_mem>>, %arg21: memref<!tpu.dma_semaphore, #tpu.memory_space<semaphore_mem>>) attributes {dimension_semantics = [#tpu.dimension_semantics<core_parallel>, #tpu.dimension_semantics<subcore_parallel>], iteration_bounds = array<i64: 2, 16>, scalar_prefetch = 0 : i64, scratch_operands = 18 : i64, tpu.core_type = #tpu.core_type<sc_vector_subcore>, window_params = [{transform_indices = #map2}, {transform_indices = #map3}]} {
    %mul3A = arith.constant 2048 : i32
    %mul3A_0 = arith.muli %arg0, %mul3A : i32
    %add3A = arith.constant 1024 : i32
    %add3A_1 = arith.addi %mul3A_0, %add3A : i32
    %mul3A_2 = arith.constant 64 : i32
    %mul3A_3 = arith.muli %arg1, %mul3A_2 : i32
    %add3A_4 = arith.addi %add3A_1, %mul3A_3 : i32
    %add3A_5 = arith.constant 0 : i32
    %add3A_6 = arith.addi %add3A_4, %add3A_5 : i32
    %dma_start3A = arith.constant 0 : i32
    %dma_start3A_7 = arith.constant 0 : i32
    %dma_start3A_8 = arith.constant 0 : i32
    %dma_start3A_9 = tpu.memref_slice %arg5[%dma_start3A, %dma_start3A_7, %dma_start3A_8] : memref<4x16x1024xf32, #tpu.memory_space<vmem>> -> memref<1x16x1024xf32, #tpu.memory_space<vmem>>
    %dma_start3A_10 = tpu.memref_squeeze %dma_start3A_9 : memref<1x16x1024xf32, #tpu.memory_space<vmem>> -> memref<16x1024xf32, #tpu.memory_space<vmem>>
    %dma_start3A_11 = arith.constant 0 : i32
    %dma_start3A_12 = tpu.memref_slice %arg2[%add3A_6, %dma_start3A_11] : memref<4097x1024xf32, #tpu.memory_space<hbm>> -> memref<16x1024xf32, #tpu.memory_space<hbm>>
    %dma_start3A_13 = arith.constant 0 : i32
    %dma_start3A_14 = arith.constant 0 : i32
    %dma_start3A_15 = tpu.memref_slice %arg5[%dma_start3A, %dma_start3A_13, %dma_start3A_14] : memref<4x16x1024xf32, #tpu.memory_space<vmem>> -> memref<1x16x1024xf32, #tpu.memory_space<vmem>>
    %dma_start3A_16 = tpu.memref_squeeze %dma_start3A_15 : memref<1x16x1024xf32, #tpu.memory_space<vmem>> -> memref<16x1024xf32, #tpu.memory_space<vmem>>
    %dma_start3A_17 = arith.constant 0 : i32
    %dma_start3A_18 = tpu.memref_slice %arg2[%add3A_6, %dma_start3A_17] : memref<4097x1024xf32, #tpu.memory_space<hbm>> -> memref<16x1024xf32, #tpu.memory_space<hbm>>
    tpu.enqueue_dma source(%dma_start3A_18 : memref<16x1024xf32, #tpu.memory_space<hbm>>) target(%dma_start3A_16 : memref<16x1024xf32, #tpu.memory_space<vmem>>) target_semaphore(%arg14 : memref<!tpu.dma_semaphore, #tpu.memory_space<semaphore_mem>>)
    %add3A_19 = arith.constant 16 : i32
    %add3A_20 = arith.addi %add3A_4, %add3A_19 : i32
    %dma_start3A_21 = arith.constant 1 : i32
    %dma_start3A_22 = arith.constant 0 : i32
    %dma_start3A_23 = arith.constant 0 : i32
    %dma_start3A_24 = tpu.memref_slice %arg5[%dma_start3A_21, %dma_start3A_22, %dma_start3A_23] : memref<4x16x1024xf32, #tpu.memory_space<vmem>> -> memref<1x16x1024xf32, #tpu.memory_space<vmem>>
    %dma_start3A_25 = tpu.memref_squeeze %dma_start3A_24 : memref<1x16x1024xf32, #tpu.memory_space<vmem>> -> memref<16x1024xf32, #tpu.memory_space<vmem>>
    %dma_start3A_26 = arith.constant 0 : i32
    %dma_start3A_27 = tpu.memref_slice %arg2[%add3A_20, %dma_start3A_26] : memref<4097x1024xf32, #tpu.memory_space<hbm>> -> memref<16x1024xf32, #tpu.memory_space<hbm>>
    %dma_start3A_28 = arith.constant 0 : i32
    %dma_start3A_29 = arith.constant 0 : i32
    %dma_start3A_30 = tpu.memref_slice %arg5[%dma_start3A_21, %dma_start3A_28, %dma_start3A_29] : memref<4x16x1024xf32, #tpu.memory_space<vmem>> -> memref<1x16x1024xf32, #tpu.memory_space<vmem>>
    %dma_start3A_31 = tpu.memref_squeeze %dma_start3A_30 : memref<1x16x1024xf32, #tpu.memory_space<vmem>> -> memref<16x1024xf32, #tpu.memory_space<vmem>>
    %dma_start3A_32 = arith.constant 0 : i32
    %dma_start3A_33 = tpu.memref_slice %arg2[%add3A_20, %dma_start3A_32] : memref<4097x1024xf32, #tpu.memory_space<hbm>> -> memref<16x1024xf32, #tpu.memory_space<hbm>>
    tpu.enqueue_dma source(%dma_start3A_33 : memref<16x1024xf32, #tpu.memory_space<hbm>>) target(%dma_start3A_31 : memref<16x1024xf32, #tpu.memory_space<vmem>>) target_semaphore(%arg15 : memref<!tpu.dma_semaphore, #tpu.memory_space<semaphore_mem>>)
    %add3A_34 = arith.constant 32 : i32
    %add3A_35 = arith.addi %add3A_4, %add3A_34 : i32
    %dma_start3A_36 = arith.constant 2 : i32
    %dma_start3A_37 = arith.constant 0 : i32
    %dma_start3A_38 = arith.constant 0 : i32
    %dma_start3A_39 = tpu.memref_slice %arg5[%dma_start3A_36, %dma_start3A_37, %dma_start3A_38] : memref<4x16x1024xf32, #tpu.memory_space<vmem>> -> memref<1x16x1024xf32, #tpu.memory_space<vmem>>
    %dma_start3A_40 = tpu.memref_squeeze %dma_start3A_39 : memref<1x16x1024xf32, #tpu.memory_space<vmem>> -> memref<16x1024xf32, #tpu.memory_space<vmem>>
    %dma_start3A_41 = arith.constant 0 : i32
    %dma_start3A_42 = tpu.memref_slice %arg2[%add3A_35, %dma_start3A_41] : memref<4097x1024xf32, #tpu.memory_space<hbm>> -> memref<16x1024xf32, #tpu.memory_space<hbm>>
    %dma_start3A_43 = arith.constant 0 : i32
    %dma_start3A_44 = arith.constant 0 : i32
    %dma_start3A_45 = tpu.memref_slice %arg5[%dma_start3A_36, %dma_start3A_43, %dma_start3A_44] : memref<4x16x1024xf32, #tpu.memory_space<vmem>> -> memref<1x16x1024xf32, #tpu.memory_space<vmem>>
    %dma_start3A_46 = tpu.memref_squeeze %dma_start3A_45 : memref<1x16x1024xf32, #tpu.memory_space<vmem>> -> memref<16x1024xf32, #tpu.memory_space<vmem>>
    %dma_start3A_47 = arith.constant 0 : i32
    %dma_start3A_48 = tpu.memref_slice %arg2[%add3A_35, %dma_start3A_47] : memref<4097x1024xf32, #tpu.memory_space<hbm>> -> memref<16x1024xf32, #tpu.memory_space<hbm>>
    tpu.enqueue_dma source(%dma_start3A_48 : memref<16x1024xf32, #tpu.memory_space<hbm>>) target(%dma_start3A_46 : memref<16x1024xf32, #tpu.memory_space<vmem>>) target_semaphore(%arg16 : memref<!tpu.dma_semaphore, #tpu.memory_space<semaphore_mem>>)
    %add3A_49 = arith.constant 48 : i32
    %add3A_50 = arith.addi %add3A_4, %add3A_49 : i32
    %dma_start3A_51 = arith.constant 3 : i32
    %dma_start3A_52 = arith.constant 0 : i32
    %dma_start3A_53 = arith.constant 0 : i32
    %dma_start3A_54 = tpu.memref_slice %arg5[%dma_start3A_51, %dma_start3A_52, %dma_start3A_53] : memref<4x16x1024xf32, #tpu.memory_space<vmem>> -> memref<1x16x1024xf32, #tpu.memory_space<vmem>>
    %dma_start3A_55 = tpu.memref_squeeze %dma_start3A_54 : memref<1x16x1024xf32, #tpu.memory_space<vmem>> -> memref<16x1024xf32, #tpu.memory_space<vmem>>
    %dma_start3A_56 = arith.constant 0 : i32
    %dma_start3A_57 = tpu.memref_slice %arg2[%add3A_50, %dma_start3A_56] : memref<4097x1024xf32, #tpu.memory_space<hbm>> -> memref<16x1024xf32, #tpu.memory_space<hbm>>
    %dma_start3A_58 = arith.constant 0 : i32
    %dma_start3A_59 = arith.constant 0 : i32
    %dma_start3A_60 = tpu.memref_slice %arg5[%dma_start3A_51, %dma_start3A_58, %dma_start3A_59] : memref<4x16x1024xf32, #tpu.memory_space<vmem>> -> memref<1x16x1024xf32, #tpu.memory_space<vmem>>
    %dma_start3A_61 = tpu.memref_squeeze %dma_start3A_60 : memref<1x16x1024xf32, #tpu.memory_space<vmem>> -> memref<16x1024xf32, #tpu.memory_space<vmem>>
    %dma_start3A_62 = arith.constant 0 : i32
    %dma_start3A_63 = tpu.memref_slice %arg2[%add3A_50, %dma_start3A_62] : memref<4097x1024xf32, #tpu.memory_space<hbm>> -> memref<16x1024xf32, #tpu.memory_space<hbm>>
    tpu.enqueue_dma source(%dma_start3A_63 : memref<16x1024xf32, #tpu.memory_space<hbm>>) target(%dma_start3A_61 : memref<16x1024xf32, #tpu.memory_space<vmem>>) target_semaphore(%arg17 : memref<!tpu.dma_semaphore, #tpu.memory_space<semaphore_mem>>)
    %dma_wait3A = arith.constant 0 : i32
    %dma_wait3A_64 = arith.constant 0 : i32
    %dma_wait3A_65 = arith.constant 0 : i32
    %dma_wait3A_66 = tpu.memref_slice %arg5[%dma_wait3A, %dma_wait3A_64, %dma_wait3A_65] : memref<4x16x1024xf32, #tpu.memory_space<vmem>> -> memref<1x16x1024xf32, #tpu.memory_space<vmem>>
    %dma_wait3A_67 = tpu.memref_squeeze %dma_wait3A_66 : memref<1x16x1024xf32, #tpu.memory_space<vmem>> -> memref<16x1024xf32, #tpu.memory_space<vmem>>
    %dma_wait3A_68 = arith.constant 0 : i32
    %dma_wait3A_69 = tpu.memref_slice %arg2[%add3A_6, %dma_wait3A_68] : memref<4097x1024xf32, #tpu.memory_space<hbm>> -> memref<16x1024xf32, #tpu.memory_space<hbm>>
    %dma_wait3A_70 = arith.constant 0 : i32
    %dma_wait3A_71 = arith.constant 0 : i32
    %dma_wait3A_72 = tpu.memref_slice %arg5[%dma_wait3A, %dma_wait3A_70, %dma_wait3A_71] : memref<4x16x1024xf32, #tpu.memory_space<vmem>> -> memref<1x16x1024xf32, #tpu.memory_space<vmem>>
    %dma_wait3A_73 = tpu.memref_squeeze %dma_wait3A_72 : memref<1x16x1024xf32, #tpu.memory_space<vmem>> -> memref<16x1024xf32, #tpu.memory_space<vmem>>
    %dma_wait3A_74 = arith.constant 0 : i32
    %dma_wait3A_75 = tpu.memref_slice %arg2[%add3A_6, %dma_wait3A_74] : memref<4097x1024xf32, #tpu.memory_space<hbm>> -> memref<16x1024xf32, #tpu.memory_space<hbm>>
    tpu.wait_dma2 semaphore(%arg14 : memref<!tpu.dma_semaphore, #tpu.memory_space<semaphore_mem>>) src(%dma_wait3A_75 : memref<16x1024xf32, #tpu.memory_space<hbm>>) dst(%dma_wait3A_73 : memref<16x1024xf32, #tpu.memory_space<vmem>>)
    %add3A_76 = arith.constant 0 : i32
    %add3A_77 = arith.addi %add3A_4, %add3A_76 : i32
    %dma_start3A_78 = arith.constant 0 : i32
    %dma_start3A_79 = arith.constant 0 : i32
    %dma_start3A_80 = arith.constant 0 : i32
    %dma_start3A_81 = arith.constant 0 : i32
    %dma_start3A_82 = tpu.memref_slice %arg5[%dma_start3A_78, %dma_start3A_80, %dma_start3A_81] : memref<4x16x1024xf32, #tpu.memory_space<vmem>> -> memref<1x16x1024xf32, #tpu.memory_space<vmem>>
    %dma_start3A_83 = tpu.memref_squeeze %dma_start3A_82 : memref<1x16x1024xf32, #tpu.memory_space<vmem>> -> memref<16x1024xf32, #tpu.memory_space<vmem>>
    %dma_start3A_84 = arith.constant 0 : i32
    %dma_start3A_85 = tpu.memref_slice %arg3[%dma_start3A_79, %add3A_77, %dma_start3A_84] : memref<1x4096x1024xf32, #tpu.memory_space<hbm>> -> memref<1x16x1024xf32, #tpu.memory_space<hbm>>
    %dma_start3A_86 = tpu.memref_squeeze %dma_start3A_85 : memref<1x16x1024xf32, #tpu.memory_space<hbm>> -> memref<16x1024xf32, #tpu.memory_space<hbm>>
    %dma_start3A_87 = arith.constant 0 : i32
    %dma_start3A_88 = tpu.memref_slice %arg3[%dma_start3A_79, %add3A_77, %dma_start3A_87] : memref<1x4096x1024xf32, #tpu.memory_space<hbm>> -> memref<1x16x1024xf32, #tpu.memory_space<hbm>>
    %dma_start3A_89 = tpu.memref_squeeze %dma_start3A_88 : memref<1x16x1024xf32, #tpu.memory_space<hbm>> -> memref<16x1024xf32, #tpu.memory_space<hbm>>
    %dma_start3A_90 = arith.constant 0 : i32
    %dma_start3A_91 = arith.constant 0 : i32
    %dma_start3A_92 = tpu.memref_slice %arg5[%dma_start3A_78, %dma_start3A_90, %dma_start3A_91] : memref<4x16x1024xf32, #tpu.memory_space<vmem>> -> memref<1x16x1024xf32, #tpu.memory_space<vmem>>
    %dma_start3A_93 = tpu.memref_squeeze %dma_start3A_92 : memref<1x16x1024xf32, #tpu.memory_space<vmem>> -> memref<16x1024xf32, #tpu.memory_space<vmem>>
    tpu.enqueue_dma source(%dma_start3A_93 : memref<16x1024xf32, #tpu.memory_space<vmem>>) target(%dma_start3A_89 : memref<16x1024xf32, #tpu.memory_space<hbm>>) target_semaphore(%arg18 : memref<!tpu.dma_semaphore, #tpu.memory_space<semaphore_mem>>)
    %dma_wait3A_94 = arith.constant 1 : i32
    %dma_wait3A_95 = arith.constant 0 : i32
    %dma_wait3A_96 = arith.constant 0 : i32
    %dma_wait3A_97 = tpu.memref_slice %arg5[%dma_wait3A_94, %dma_wait3A_95, %dma_wait3A_96] : memref<4x16x1024xf32, #tpu.memory_space<vmem>> -> memref<1x16x1024xf32, #tpu.memory_space<vmem>>
    %dma_wait3A_98 = tpu.memref_squeeze %dma_wait3A_97 : memref<1x16x1024xf32, #tpu.memory_space<vmem>> -> memref<16x1024xf32, #tpu.memory_space<vmem>>
    %dma_wait3A_99 = arith.constant 0 : i32
    %dma_wait3A_100 = tpu.memref_slice %arg2[%add3A_20, %dma_wait3A_99] : memref<4097x1024xf32, #tpu.memory_space<hbm>> -> memref<16x1024xf32, #tpu.memory_space<hbm>>
    %dma_wait3A_101 = arith.constant 0 : i32
    %dma_wait3A_102 = arith.constant 0 : i32
    %dma_wait3A_103 = tpu.memref_slice %arg5[%dma_wait3A_94, %dma_wait3A_101, %dma_wait3A_102] : memref<4x16x1024xf32, #tpu.memory_space<vmem>> -> memref<1x16x1024xf32, #tpu.memory_space<vmem>>
    %dma_wait3A_104 = tpu.memref_squeeze %dma_wait3A_103 : memref<1x16x1024xf32, #tpu.memory_space<vmem>> -> memref<16x1024xf32, #tpu.memory_space<vmem>>
    %dma_wait3A_105 = arith.constant 0 : i32
    %dma_wait3A_106 = tpu.memref_slice %arg2[%add3A_20, %dma_wait3A_105] : memref<4097x1024xf32, #tpu.memory_space<hbm>> -> memref<16x1024xf32, #tpu.memory_space<hbm>>
    tpu.wait_dma2 semaphore(%arg15 : memref<!tpu.dma_semaphore, #tpu.memory_space<semaphore_mem>>) src(%dma_wait3A_106 : memref<16x1024xf32, #tpu.memory_space<hbm>>) dst(%dma_wait3A_104 : memref<16x1024xf32, #tpu.memory_space<vmem>>)
    %add3A_107 = arith.constant 16 : i32
    %add3A_108 = arith.addi %add3A_4, %add3A_107 : i32
    %dma_start3A_109 = arith.constant 1 : i32
    %dma_start3A_110 = arith.constant 0 : i32
    %dma_start3A_111 = arith.constant 0 : i32
    %dma_start3A_112 = arith.constant 0 : i32
    %dma_start3A_113 = tpu.memref_slice %arg5[%dma_start3A_109, %dma_start3A_111, %dma_start3A_112] : memref<4x16x1024xf32, #tpu.memory_space<vmem>> -> memref<1x16x1024xf32, #tpu.memory_space<vmem>>
    %dma_start3A_114 = tpu.memref_squeeze %dma_start3A_113 : memref<1x16x1024xf32, #tpu.memory_space<vmem>> -> memref<16x1024xf32, #tpu.memory_space<vmem>>
    %dma_start3A_115 = arith.constant 0 : i32
    %dma_start3A_116 = tpu.memref_slice %arg3[%dma_start3A_110, %add3A_108, %dma_start3A_115] : memref<1x4096x1024xf32, #tpu.memory_space<hbm>> -> memref<1x16x1024xf32, #tpu.memory_space<hbm>>
    %dma_start3A_117 = tpu.memref_squeeze %dma_start3A_116 : memref<1x16x1024xf32, #tpu.memory_space<hbm>> -> memref<16x1024xf32, #tpu.memory_space<hbm>>
    %dma_start3A_118 = arith.constant 0 : i32
    %dma_start3A_119 = tpu.memref_slice %arg3[%dma_start3A_110, %add3A_108, %dma_start3A_118] : memref<1x4096x1024xf32, #tpu.memory_space<hbm>> -> memref<1x16x1024xf32, #tpu.memory_space<hbm>>
    %dma_start3A_120 = tpu.memref_squeeze %dma_start3A_119 : memref<1x16x1024xf32, #tpu.memory_space<hbm>> -> memref<16x1024xf32, #tpu.memory_space<hbm>>
    %dma_start3A_121 = arith.constant 0 : i32
    %dma_start3A_122 = arith.constant 0 : i32
    %dma_start3A_123 = tpu.memref_slice %arg5[%dma_start3A_109, %dma_start3A_121, %dma_start3A_122] : memref<4x16x1024xf32, #tpu.memory_space<vmem>> -> memref<1x16x1024xf32, #tpu.memory_space<vmem>>
    %dma_start3A_124 = tpu.memref_squeeze %dma_start3A_123 : memref<1x16x1024xf32, #tpu.memory_space<vmem>> -> memref<16x1024xf32, #tpu.memory_space<vmem>>
    tpu.enqueue_dma source(%dma_start3A_124 : memref<16x1024xf32, #tpu.memory_space<vmem>>) target(%dma_start3A_120 : memref<16x1024xf32, #tpu.memory_space<hbm>>) target_semaphore(%arg19 : memref<!tpu.dma_semaphore, #tpu.memory_space<semaphore_mem>>)
    %dma_wait3A_125 = arith.constant 2 : i32
    %dma_wait3A_126 = arith.constant 0 : i32
    %dma_wait3A_127 = arith.constant 0 : i32
    %dma_wait3A_128 = tpu.memref_slice %arg5[%dma_wait3A_125, %dma_wait3A_126, %dma_wait3A_127] : memref<4x16x1024xf32, #tpu.memory_space<vmem>> -> memref<1x16x1024xf32, #tpu.memory_space<vmem>>
    %dma_wait3A_129 = tpu.memref_squeeze %dma_wait3A_128 : memref<1x16x1024xf32, #tpu.memory_space<vmem>> -> memref<16x1024xf32, #tpu.memory_space<vmem>>
    %dma_wait3A_130 = arith.constant 0 : i32
    %dma_wait3A_131 = tpu.memref_slice %arg2[%add3A_35, %dma_wait3A_130] : memref<4097x1024xf32, #tpu.memory_space<hbm>> -> memref<16x1024xf32, #tpu.memory_space<hbm>>
    %dma_wait3A_132 = arith.constant 0 : i32
    %dma_wait3A_133 = arith.constant 0 : i32
    %dma_wait3A_134 = tpu.memref_slice %arg5[%dma_wait3A_125, %dma_wait3A_132, %dma_wait3A_133] : memref<4x16x1024xf32, #tpu.memory_space<vmem>> -> memref<1x16x1024xf32, #tpu.memory_space<vmem>>
    %dma_wait3A_135 = tpu.memref_squeeze %dma_wait3A_134 : memref<1x16x1024xf32, #tpu.memory_space<vmem>> -> memref<16x1024xf32, #tpu.memory_space<vmem>>
    %dma_wait3A_136 = arith.constant 0 : i32
    %dma_wait3A_137 = tpu.memref_slice %arg2[%add3A_35, %dma_wait3A_136] : memref<4097x1024xf32, #tpu.memory_space<hbm>> -> memref<16x1024xf32, #tpu.memory_space<hbm>>
    tpu.wait_dma2 semaphore(%arg16 : memref<!tpu.dma_semaphore, #tpu.memory_space<semaphore_mem>>) src(%dma_wait3A_137 : memref<16x1024xf32, #tpu.memory_space<hbm>>) dst(%dma_wait3A_135 : memref<16x1024xf32, #tpu.memory_space<vmem>>)
    %add3A_138 = arith.constant 32 : i32
    %add3A_139 = arith.addi %add3A_4, %add3A_138 : i32
    %dma_start3A_140 = arith.constant 2 : i32
    %dma_start3A_141 = arith.constant 0 : i32
    %dma_start3A_142 = arith.constant 0 : i32
    %dma_start3A_143 = arith.constant 0 : i32
    %dma_start3A_144 = tpu.memref_slice %arg5[%dma_start3A_140, %dma_start3A_142, %dma_start3A_143] : memref<4x16x1024xf32, #tpu.memory_space<vmem>> -> memref<1x16x1024xf32, #tpu.memory_space<vmem>>
    %dma_start3A_145 = tpu.memref_squeeze %dma_start3A_144 : memref<1x16x1024xf32, #tpu.memory_space<vmem>> -> memref<16x1024xf32, #tpu.memory_space<vmem>>
    %dma_start3A_146 = arith.constant 0 : i32
    %dma_start3A_147 = tpu.memref_slice %arg3[%dma_start3A_141, %add3A_139, %dma_start3A_146] : memref<1x4096x1024xf32, #tpu.memory_space<hbm>> -> memref<1x16x1024xf32, #tpu.memory_space<hbm>>
    %dma_start3A_148 = tpu.memref_squeeze %dma_start3A_147 : memref<1x16x1024xf32, #tpu.memory_space<hbm>> -> memref<16x1024xf32, #tpu.memory_space<hbm>>
    %dma_start3A_149 = arith.constant 0 : i32
    %dma_start3A_150 = tpu.memref_slice %arg3[%dma_start3A_141, %add3A_139, %dma_start3A_149] : memref<1x4096x1024xf32, #tpu.memory_space<hbm>> -> memref<1x16x1024xf32, #tpu.memory_space<hbm>>
    %dma_start3A_151 = tpu.memref_squeeze %dma_start3A_150 : memref<1x16x1024xf32, #tpu.memory_space<hbm>> -> memref<16x1024xf32, #tpu.memory_space<hbm>>
    %dma_start3A_152 = arith.constant 0 : i32
    %dma_start3A_153 = arith.constant 0 : i32
    %dma_start3A_154 = tpu.memref_slice %arg5[%dma_start3A_140, %dma_start3A_152, %dma_start3A_153] : memref<4x16x1024xf32, #tpu.memory_space<vmem>> -> memref<1x16x1024xf32, #tpu.memory_space<vmem>>
    %dma_start3A_155 = tpu.memref_squeeze %dma_start3A_154 : memref<1x16x1024xf32, #tpu.memory_space<vmem>> -> memref<16x1024xf32, #tpu.memory_space<vmem>>
    tpu.enqueue_dma source(%dma_start3A_155 : memref<16x1024xf32, #tpu.memory_space<vmem>>) target(%dma_start3A_151 : memref<16x1024xf32, #tpu.memory_space<hbm>>) target_semaphore(%arg20 : memref<!tpu.dma_semaphore, #tpu.memory_space<semaphore_mem>>)
    %dma_wait3A_156 = arith.constant 3 : i32
    %dma_wait3A_157 = arith.constant 0 : i32
    %dma_wait3A_158 = arith.constant 0 : i32
    %dma_wait3A_159 = tpu.memref_slice %arg5[%dma_wait3A_156, %dma_wait3A_157, %dma_wait3A_158] : memref<4x16x1024xf32, #tpu.memory_space<vmem>> -> memref<1x16x1024xf32, #tpu.memory_space<vmem>>
    %dma_wait3A_160 = tpu.memref_squeeze %dma_wait3A_159 : memref<1x16x1024xf32, #tpu.memory_space<vmem>> -> memref<16x1024xf32, #tpu.memory_space<vmem>>
    %dma_wait3A_161 = arith.constant 0 : i32
    %dma_wait3A_162 = tpu.memref_slice %arg2[%add3A_50, %dma_wait3A_161] : memref<4097x1024xf32, #tpu.memory_space<hbm>> -> memref<16x1024xf32, #tpu.memory_space<hbm>>
    %dma_wait3A_163 = arith.constant 0 : i32
    %dma_wait3A_164 = arith.constant 0 : i32
    %dma_wait3A_165 = tpu.memref_slice %arg5[%dma_wait3A_156, %dma_wait3A_163, %dma_wait3A_164] : memref<4x16x1024xf32, #tpu.memory_space<vmem>> -> memref<1x16x1024xf32, #tpu.memory_space<vmem>>
    %dma_wait3A_166 = tpu.memref_squeeze %dma_wait3A_165 : memref<1x16x1024xf32, #tpu.memory_space<vmem>> -> memref<16x1024xf32, #tpu.memory_space<vmem>>
    %dma_wait3A_167 = arith.constant 0 : i32
    %dma_wait3A_168 = tpu.memref_slice %arg2[%add3A_50, %dma_wait3A_167] : memref<4097x1024xf32, #tpu.memory_space<hbm>> -> memref<16x1024xf32, #tpu.memory_space<hbm>>
    tpu.wait_dma2 semaphore(%arg17 : memref<!tpu.dma_semaphore, #tpu.memory_space<semaphore_mem>>) src(%dma_wait3A_168 : memref<16x1024xf32, #tpu.memory_space<hbm>>) dst(%dma_wait3A_166 : memref<16x1024xf32, #tpu.memory_space<vmem>>)
    %add3A_169 = arith.constant 48 : i32
    %add3A_170 = arith.addi %add3A_4, %add3A_169 : i32
    %dma_start3A_171 = arith.constant 3 : i32
    %dma_start3A_172 = arith.constant 0 : i32
    %dma_start3A_173 = arith.constant 0 : i32
    %dma_start3A_174 = arith.constant 0 : i32
    %dma_start3A_175 = tpu.memref_slice %arg5[%dma_start3A_171, %dma_start3A_173, %dma_start3A_174] : memref<4x16x1024xf32, #tpu.memory_space<vmem>> -> memref<1x16x1024xf32, #tpu.memory_space<vmem>>
    %dma_start3A_176 = tpu.memref_squeeze %dma_start3A_175 : memref<1x16x1024xf32, #tpu.memory_space<vmem>> -> memref<16x1024xf32, #tpu.memory_space<vmem>>
    %dma_start3A_177 = arith.constant 0 : i32
    %dma_start3A_178 = tpu.memref_slice %arg3[%dma_start3A_172, %add3A_170, %dma_start3A_177] : memref<1x4096x1024xf32, #tpu.memory_space<hbm>> -> memref<1x16x1024xf32, #tpu.memory_space<hbm>>
    %dma_start3A_179 = tpu.memref_squeeze %dma_start3A_178 : memref<1x16x1024xf32, #tpu.memory_space<hbm>> -> memref<16x1024xf32, #tpu.memory_space<hbm>>
    %dma_start3A_180 = arith.constant 0 : i32
    %dma_start3A_181 = tpu.memref_slice %arg3[%dma_start3A_172, %add3A_170, %dma_start3A_180] : memref<1x4096x1024xf32, #tpu.memory_space<hbm>> -> memref<1x16x1024xf32, #tpu.memory_space<hbm>>
    %dma_start3A_182 = tpu.memref_squeeze %dma_start3A_181 : memref<1x16x1024xf32, #tpu.memory_space<hbm>> -> memref<16x1024xf32, #tpu.memory_space<hbm>>
    %dma_start3A_183 = arith.constant 0 : i32
    %dma_start3A_184 = arith.constant 0 : i32
    %dma_start3A_185 = tpu.memref_slice %arg5[%dma_start3A_171, %dma_start3A_183, %dma_start3A_184] : memref<4x16x1024xf32, #tpu.memory_space<vmem>> -> memref<1x16x1024xf32, #tpu.memory_space<vmem>>
    %dma_start3A_186 = tpu.memref_squeeze %dma_start3A_185 : memref<1x16x1024xf32, #tpu.memory_space<vmem>> -> memref<16x1024xf32, #tpu.memory_space<vmem>>
    tpu.enqueue_dma source(%dma_start3A_186 : memref<16x1024xf32, #tpu.memory_space<vmem>>) target(%dma_start3A_182 : memref<16x1024xf32, #tpu.memory_space<hbm>>) target_semaphore(%arg21 : memref<!tpu.dma_semaphore, #tpu.memory_space<semaphore_mem>>)
    %dma_wait3A_187 = arith.constant 0 : i32
    %dma_wait3A_188 = arith.constant 0 : i32
    %dma_wait3A_189 = arith.constant 0 : i32
    %dma_wait3A_190 = arith.constant 0 : i32
    %dma_wait3A_191 = tpu.memref_slice %arg5[%dma_wait3A_187, %dma_wait3A_189, %dma_wait3A_190] : memref<4x16x1024xf32, #tpu.memory_space<vmem>> -> memref<1x16x1024xf32, #tpu.memory_space<vmem>>
    %dma_wait3A_192 = tpu.memref_squeeze %dma_wait3A_191 : memref<1x16x1024xf32, #tpu.memory_space<vmem>> -> memref<16x1024xf32, #tpu.memory_space<vmem>>
    %dma_wait3A_193 = arith.constant 0 : i32
    %dma_wait3A_194 = tpu.memref_slice %arg3[%dma_wait3A_188, %add3A_77, %dma_wait3A_193] : memref<1x4096x1024xf32, #tpu.memory_space<hbm>> -> memref<1x16x1024xf32, #tpu.memory_space<hbm>>
    %dma_wait3A_195 = tpu.memref_squeeze %dma_wait3A_194 : memref<1x16x1024xf32, #tpu.memory_space<hbm>> -> memref<16x1024xf32, #tpu.memory_space<hbm>>
    %dma_wait3A_196 = arith.constant 0 : i32
    %dma_wait3A_197 = tpu.memref_slice %arg3[%dma_wait3A_188, %add3A_77, %dma_wait3A_196] : memref<1x4096x1024xf32, #tpu.memory_space<hbm>> -> memref<1x16x1024xf32, #tpu.memory_space<hbm>>
    %dma_wait3A_198 = tpu.memref_squeeze %dma_wait3A_197 : memref<1x16x1024xf32, #tpu.memory_space<hbm>> -> memref<16x1024xf32, #tpu.memory_space<hbm>>
    %dma_wait3A_199 = arith.constant 0 : i32
    %dma_wait3A_200 = arith.constant 0 : i32
    %dma_wait3A_201 = tpu.memref_slice %arg5[%dma_wait3A_187, %dma_wait3A_199, %dma_wait3A_200] : memref<4x16x1024xf32, #tpu.memory_space<vmem>> -> memref<1x16x1024xf32, #tpu.memory_space<vmem>>
    %dma_wait3A_202 = tpu.memref_squeeze %dma_wait3A_201 : memref<1x16x1024xf32, #tpu.memory_space<vmem>> -> memref<16x1024xf32, #tpu.memory_space<vmem>>
    tpu.wait_dma2 semaphore(%arg18 : memref<!tpu.dma_semaphore, #tpu.memory_space<semaphore_mem>>) src(%dma_wait3A_202 : memref<16x1024xf32, #tpu.memory_space<vmem>>) dst(%dma_wait3A_198 : memref<16x1024xf32, #tpu.memory_space<hbm>>)
    %dma_wait3A_203 = arith.constant 1 : i32
    %dma_wait3A_204 = arith.constant 0 : i32
    %dma_wait3A_205 = arith.constant 0 : i32
    %dma_wait3A_206 = arith.constant 0 : i32
    %dma_wait3A_207 = tpu.memref_slice %arg5[%dma_wait3A_203, %dma_wait3A_205, %dma_wait3A_206] : memref<4x16x1024xf32, #tpu.memory_space<vmem>> -> memref<1x16x1024xf32, #tpu.memory_space<vmem>>
    %dma_wait3A_208 = tpu.memref_squeeze %dma_wait3A_207 : memref<1x16x1024xf32, #tpu.memory_space<vmem>> -> memref<16x1024xf32, #tpu.memory_space<vmem>>
    %dma_wait3A_209 = arith.constant 0 : i32
    %dma_wait3A_210 = tpu.memref_slice %arg3[%dma_wait3A_204, %add3A_108, %dma_wait3A_209] : memref<1x4096x1024xf32, #tpu.memory_space<hbm>> -> memref<1x16x1024xf32, #tpu.memory_space<hbm>>
    %dma_wait3A_211 = tpu.memref_squeeze %dma_wait3A_210 : memref<1x16x1024xf32, #tpu.memory_space<hbm>> -> memref<16x1024xf32, #tpu.memory_space<hbm>>
    %dma_wait3A_212 = arith.constant 0 : i32
    %dma_wait3A_213 = tpu.memref_slice %arg3[%dma_wait3A_204, %add3A_108, %dma_wait3A_212] : memref<1x4096x1024xf32, #tpu.memory_space<hbm>> -> memref<1x16x1024xf32, #tpu.memory_space<hbm>>
    %dma_wait3A_214 = tpu.memref_squeeze %dma_wait3A_213 : memref<1x16x1024xf32, #tpu.memory_space<hbm>> -> memref<16x1024xf32, #tpu.memory_space<hbm>>
    %dma_wait3A_215 = arith.constant 0 : i32
    %dma_wait3A_216 = arith.constant 0 : i32
    %dma_wait3A_217 = tpu.memref_slice %arg5[%dma_wait3A_203, %dma_wait3A_215, %dma_wait3A_216] : memref<4x16x1024xf32, #tpu.memory_space<vmem>> -> memref<1x16x1024xf32, #tpu.memory_space<vmem>>
    %dma_wait3A_218 = tpu.memref_squeeze %dma_wait3A_217 : memref<1x16x1024xf32, #tpu.memory_space<vmem>> -> memref<16x1024xf32, #tpu.memory_space<vmem>>
    tpu.wait_dma2 semaphore(%arg19 : memref<!tpu.dma_semaphore, #tpu.memory_space<semaphore_mem>>) src(%dma_wait3A_218 : memref<16x1024xf32, #tpu.memory_space<vmem>>) dst(%dma_wait3A_214 : memref<16x1024xf32, #tpu.memory_space<hbm>>)
    %dma_wait3A_219 = arith.constant 2 : i32
    %dma_wait3A_220 = arith.constant 0 : i32
    %dma_wait3A_221 = arith.constant 0 : i32
    %dma_wait3A_222 = arith.constant 0 : i32
    %dma_wait3A_223 = tpu.memref_slice %arg5[%dma_wait3A_219, %dma_wait3A_221, %dma_wait3A_222] : memref<4x16x1024xf32, #tpu.memory_space<vmem>> -> memref<1x16x1024xf32, #tpu.memory_space<vmem>>
    %dma_wait3A_224 = tpu.memref_squeeze %dma_wait3A_223 : memref<1x16x1024xf32, #tpu.memory_space<vmem>> -> memref<16x1024xf32, #tpu.memory_space<vmem>>
    %dma_wait3A_225 = arith.constant 0 : i32
    %dma_wait3A_226 = tpu.memref_slice %arg3[%dma_wait3A_220, %add3A_139, %dma_wait3A_225] : memref<1x4096x1024xf32, #tpu.memory_space<hbm>> -> memref<1x16x1024xf32, #tpu.memory_space<hbm>>
    %dma_wait3A_227 = tpu.memref_squeeze %dma_wait3A_226 : memref<1x16x1024xf32, #tpu.memory_space<hbm>> -> memref<16x1024xf32, #tpu.memory_space<hbm>>
    %dma_wait3A_228 = arith.constant 0 : i32
    %dma_wait3A_229 = tpu.memref_slice %arg3[%dma_wait3A_220, %add3A_139, %dma_wait3A_228] : memref<1x4096x1024xf32, #tpu.memory_space<hbm>> -> memref<1x16x1024xf32, #tpu.memory_space<hbm>>
    %dma_wait3A_230 = tpu.memref_squeeze %dma_wait3A_229 : memref<1x16x1024xf32, #tpu.memory_space<hbm>> -> memref<16x1024xf32, #tpu.memory_space<hbm>>
    %dma_wait3A_231 = arith.constant 0 : i32
    %dma_wait3A_232 = arith.constant 0 : i32
    %dma_wait3A_233 = tpu.memref_slice %arg5[%dma_wait3A_219, %dma_wait3A_231, %dma_wait3A_232] : memref<4x16x1024xf32, #tpu.memory_space<vmem>> -> memref<1x16x1024xf32, #tpu.memory_space<vmem>>
    %dma_wait3A_234 = tpu.memref_squeeze %dma_wait3A_233 : memref<1x16x1024xf32, #tpu.memory_space<vmem>> -> memref<16x1024xf32, #tpu.memory_space<vmem>>
    tpu.wait_dma2 semaphore(%arg20 : memref<!tpu.dma_semaphore, #tpu.memory_space<semaphore_mem>>) src(%dma_wait3A_234 : memref<16x1024xf32, #tpu.memory_space<vmem>>) dst(%dma_wait3A_230 : memref<16x1024xf32, #tpu.memory_space<hbm>>)
    %dma_wait3A_235 = arith.constant 3 : i32
    %dma_wait3A_236 = arith.constant 0 : i32
    %dma_wait3A_237 = arith.constant 0 : i32
    %dma_wait3A_238 = arith.constant 0 : i32
    %dma_wait3A_239 = tpu.memref_slice %arg5[%dma_wait3A_235, %dma_wait3A_237, %dma_wait3A_238] : memref<4x16x1024xf32, #tpu.memory_space<vmem>> -> memref<1x16x1024xf32, #tpu.memory_space<vmem>>
    %dma_wait3A_240 = tpu.memref_squeeze %dma_wait3A_239 : memref<1x16x1024xf32, #tpu.memory_space<vmem>> -> memref<16x1024xf32, #tpu.memory_space<vmem>>
    %dma_wait3A_241 = arith.constant 0 : i32
    %dma_wait3A_242 = tpu.memref_slice %arg3[%dma_wait3A_236, %add3A_170, %dma_wait3A_241] : memref<1x4096x1024xf32, #tpu.memory_space<hbm>> -> memref<1x16x1024xf32, #tpu.memory_space<hbm>>
    %dma_wait3A_243 = tpu.memref_squeeze %dma_wait3A_242 : memref<1x16x1024xf32, #tpu.memory_space<hbm>> -> memref<16x1024xf32, #tpu.memory_space<hbm>>
    %dma_wait3A_244 = arith.constant 0 : i32
    %dma_wait3A_245 = tpu.memref_slice %arg3[%dma_wait3A_236, %add3A_170, %dma_wait3A_244] : memref<1x4096x1024xf32, #tpu.memory_space<hbm>> -> memref<1x16x1024xf32, #tpu.memory_space<hbm>>
    %dma_wait3A_246 = tpu.memref_squeeze %dma_wait3A_245 : memref<1x16x1024xf32, #tpu.memory_space<hbm>> -> memref<16x1024xf32, #tpu.memory_space<hbm>>
    %dma_wait3A_247 = arith.constant 0 : i32
    %dma_wait3A_248 = arith.constant 0 : i32
    %dma_wait3A_249 = tpu.memref_slice %arg5[%dma_wait3A_235, %dma_wait3A_247, %dma_wait3A_248] : memref<4x16x1024xf32, #tpu.memory_space<vmem>> -> memref<1x16x1024xf32, #tpu.memory_space<vmem>>
    %dma_wait3A_250 = tpu.memref_squeeze %dma_wait3A_249 : memref<1x16x1024xf32, #tpu.memory_space<vmem>> -> memref<16x1024xf32, #tpu.memory_space<vmem>>
    tpu.wait_dma2 semaphore(%arg21 : memref<!tpu.dma_semaphore, #tpu.memory_space<semaphore_mem>>) src(%dma_wait3A_250 : memref<16x1024xf32, #tpu.memory_space<vmem>>) dst(%dma_wait3A_246 : memref<16x1024xf32, #tpu.memory_space<hbm>>)
    return
  }
}

</mosaic_0001>

<sc_bundles>
// kernel: kernel.3.cloned.1.call-start
scs
__scs_entry_jumppad:
0x0: {  	(pc) =	sbr.rel $0x88, $3  }
0x1: {  	(tag) =	ssettag $0x0;
	lr =	simm.s32 $0x1  }
0x2: {  	[smem:$0x3FA0] =	sst lr;
	_ =	strace $0xD0000000  }
0x3: {  	_ = 	snop  }
0x4: {  	_ = 	snop  }
0x5: {  	_ = 	snop  }
0x6: {  	_ = 	snop  }
0x7: {  	_ = 	snop  }
__scs_overlays_trampoline_lowered:
0x8: {  	[smem:$0x3FAF] =	sst s0  }
0x9: {  	[smem:$0x3FB0] =	sst s1  }
0xa: {  	[smem:$0x3FB1] =	sst s2  }
0xb: {  	[smem:$0x3FB2] =	sst s3  }
0xc: {  	[smem:$0x3FB3] =	sst s4  }
0xd: {  	[smem:$0x3FB4] =	sst s5  }
0xe: {  	[smem:$0x3FB5] =	sst s6  }
0xf: {  	[smem:$0x3FB6] =	sst s7  }
0x10: {  	[smem:$0x3FB7] =	sst s8  }
0x11: {  	[smem:$0x3FB8] =	sst s9;
	s0 =	simm.s32 @!p0 $0x0  }
0x12: {  	s1 =	sld [smem:$0x3F9E];
	s0 =	simm.s32 @p0 $0x1  }
0x13: {  	[smem:$0x3FB9] =	sst s0;
	s0 =	simm.s32 @!p1 $0x0  }
0x14: {  	s2 =	sld [smem:$0x3F9D];
	s0 =	simm.s32 @p1 $0x1  }
0x15: {  	[smem:$0x3FBA] =	sst s0;
	s0 =	simm.s32 @!p2 $0x0  }
0x16: {  	s3 =	sld [smem:$0x3FDB];
	s0 =	simm.s32 @p2 $0x1  }
0x17: {  	s4 =	simm.s32 $0x1BF5;
	[smem:$0x3FBC] =	sst s0  }
0x18: {  	s0 =	sld [smem:$0x3F9F];
	_ =	swait.ge [sflag:s4], $0x0  }
0x19: {  	s7 =	sld [smem:$0x3FA0]  }
0x1a: {  	s8 =	sadd.s32 $0xFFFFE003, lr  }
0x1b: {  	s9 =	sadd.s32 $0xFFFFFEF7, lr;
	s5 =	simm.s32 $0xFFFFFFFF;
	p2 =	slt.u32 s8, $0xFFFFF086  }
0x1c: {  	p1 =	slt.u32 s9, $0xF7A;
	s5 =	simm.s32 @!p2 $0x0  }
0x1d: {  	s5 =	simm.s32 @p1 $0x1;
	p0 =	seq.s32 s7, s2  }
0x1e: {  	s7 =	smul.u32 @!p0 $0xF7A, s2;
	p2 =	seq.s32 @!p0 s5, $0x0  }
0x1f: {  	s9 =	smul.u32 $0xF7A, s1;
	s8 =	simm.s32 @!p0 $0x1BF5;
	p2 =	por !p2, p0  }
0x20: {  	[sflag:s8] =	ssyncset.s32 @!p0 $0xFFFFF086;
	s6 =	sadd.s32 @!p0 s3, s7;
	s7 =	simm.s32 @!p0 $0x108  }
0x21: {  	s3 =	sadd.s32 s3, s9;
	s6 =	sadd.s32 @!p0 $0x88, s6;
	s7 =	simm.s32 @p2 $0x1082  }
0x22: {  	[simem:s7], [sflag:s8] =	dma.local @!p0 [hbm:s6], $0xF7A  }
0x23: {  	s9 =	sor.u32 $0xD0000000, s2;
	s6 =	simm.s32 $0x108;
	_ =	swait.ge @!p0 [sflag:s8], $0x0  }
0x24: {  	s3 =	sadd.s32 $0x88, s3;
	s6 =	simm.s32 @!p1 $0x1082;
	[sflag:s4] =	ssyncset.s32 $0xFFFFF086  }
0x25: {  	[simem:s6], [sflag:s4] =	dma.local [hbm:s3], $0xF7A  }
0x26: {  	[smem:$0x3FA0] =	sst s1;
	(tag) =	ssettag s2;
	_ =	strace s9  }
0x27: {  	s1 =	sld [smem:$0x3FB0]  }
0x28: {  	s2 =	sld [smem:$0x3FB1]  }
0x29: {  	s4 =	sld [smem:$0x3FB3]  }
0x2a: {  	p0 =	seq.s32 s5, $0x0;
	s5 =	sld [smem:$0x3FB4]  }
0x2b: {  	s6 =	sld [smem:$0x3FB5]  }
0x2c: {  	s7 =	sld [smem:$0x3FB6]  }
0x2d: {  	s3 =	simm.s32 $0x108;
	s8 =	sld [smem:$0x3FB7]  }
0x2e: {  	s3 =	simm.s32 @!p0 $0x1082;
	s9 =	sld [smem:$0x3FB8]  }
0x2f: {  	lr =	sadd.s32 s0, s3;
	s0 =	sld [smem:$0x3FAF]  }
0x30: {  	s3 =	sld [smem:$0x3FB2]  }
0x31: {  	[smem:$0x3FBB] =	sst s10  }
0x32: {  	s10 =	sld [smem:$0x3FB9];
	_ =	sdelay $0x3  }
0x33: {  	p0 =	seq.s32 s10, $0x1;
	s10 =	sld [smem:$0x3FBB];
	_ =	sdelay $0x3  }
0x34: {  	[smem:$0x3FBB] =	sst s10  }
0x35: {  	s10 =	sld [smem:$0x3FBA];
	_ =	sdelay $0x3  }
0x36: {  	p1 =	seq.s32 s10, $0x1;
	s10 =	sld [smem:$0x3FBB];
	_ =	sdelay $0x3  }
0x37: {  	[smem:$0x3FBB] =	sst s10  }
0x38: {  	s10 =	sld [smem:$0x3FBC]  }
0x39: {  	_ = 	snop;
	(pc) =	sbr.ind lr, $3  }
0x3a: {  	_ = 	snop  }
0x3b: {  	_ = 	snop  }
0x3c: {  	p2 =	seq.s32 s10, $0x1;
	s10 =	sld [smem:$0x3FBB]  }
0x3d: {  	_ =	shalt  }
0x3e: {  	_ =	shalt  }
0x3f: {  	_ =	shalt  }
0x40: {  	_ =	shalt  }
0x41: {  	_ =	shalt  }
0x42: {  	_ =	shalt  }
0x43: {  	_ =	shalt  }
0x44: {  	_ =	shalt  }
0x45: {  	_ =	shalt  }
0x46: {  	_ =	shalt  }
0x47: {  	_ =	shalt  }
0x48: {  	_ =	shalt  }
0x49: {  	_ =	shalt  }
0x4a: {  	_ =	shalt  }
0x4b: {  	_ =	shalt  }
0x4c: {  	_ =	shalt  }
0x4d: {  	_ =	shalt  }
0x4e: {  	_ =	shalt  }
0x4f: {  	_ =	shalt  }
0x50: {  	_ =	shalt  }
0x51: {  	_ =	shalt  }
0x52: {  	_ =	shalt  }
0x53: {  	_ =	shalt  }
0x54: {  	_ =	shalt  }
0x55: {  	_ =	shalt  }
0x56: {  	_ =	shalt  }
0x57: {  	_ =	shalt  }
0x58: {  	_ =	shalt  }
0x59: {  	_ =	shalt  }
0x5a: {  	_ =	shalt  }
0x5b: {  	_ =	shalt  }
0x5c: {  	_ =	shalt  }
0x5d: {  	_ =	shalt  }
0x5e: {  	_ =	shalt  }
0x5f: {  	_ =	shalt  }
0x60: {  	_ =	shalt  }
0x61: {  	_ =	shalt  }
0x62: {  	_ =	shalt  }
0x63: {  	_ =	shalt  }
0x64: {  	_ =	shalt  }
0x65: {  	_ =	shalt  }
0x66: {  	_ =	shalt  }
0x67: {  	_ =	shalt  }
0x68: {  	_ =	shalt  }
0x69: {  	_ =	shalt  }
0x6a: {  	_ =	shalt  }
0x6b: {  	_ =	shalt  }
0x6c: {  	_ =	shalt  }
0x6d: {  	_ =	shalt  }
0x6e: {  	_ =	shalt  }
0x6f: {  	_ =	shalt  }
0x70: {  	_ =	shalt  }
0x71: {  	_ =	shalt  }
0x72: {  	_ =	shalt  }
0x73: {  	_ =	shalt  }
0x74: {  	_ =	shalt  }
0x75: {  	_ =	shalt  }
0x76: {  	_ =	shalt  }
0x77: {  	_ =	shalt  }
0x78: {  	_ =	shalt  }
0x79: {  	_ =	shalt  }
0x7a: {  	_ =	shalt  }
0x7b: {  	_ =	shalt  }
0x7c: {  	_ =	shalt  }
0x7d: {  	_ =	shalt  }
0x7e: {  	_ =	shalt  }
0x7f: {  	_ =	shalt  }
0x80: {  	_ =	shalt  }
0x81: {  	_ =	shalt  }
0x82: {  	_ =	shalt  }
0x83: {  	_ =	shalt  }
0x84: {  	_ =	shalt  }
0x85: {  	_ =	shalt  }
0x86: {  	_ =	shalt  }
0x87: {  	_ =	shalt  }
.Lfunc_end0:
.L_simem_size_0:
called_computation_lowered:
.L_overlay_start_0:
0x88: {  	s1 =	sld [smem:$0x3FD9]  }
0x89: {  	s3 =	sld [smem:$0x3FFE];
	_ =	sdelay $0x1  }
0x8a: {  	s2 =	srdreg.scid  }
0x8b: {  	s0 =	sand.u32 $0x1, s2  }
0x8c: {  	s23 =	sshll.u32 s0, $0xA;
	s1 =	sadd.s32 s3, s1  }
0x8d: {  	s1 =	sadd.s32 s1, s23  }
0x8e: {  	[smem:$0x3FC7] =	sst s1  }
0x8f: {  	_ = 	snop  }
0x90: {  	s1 =	simm.s32 $0x0;
	s4 =	sld [smem:$0x3FC9]  }
0x91: {  	[smem:$0xF] =	sst s1  }
0x92: {  	s3 =	sld [smem:$0x3FD0];
	(tm) =	ssettm $0x1  }
0x93: {  	s5 =	sld [smem:$0x3FFB];
	_ =	sdelay $0x3  }
0x94: {  	_ =	strace s5  }
0x95: {  	s5 =	sld [smem:$0x3FFC];
	_ =	sdelay $0x3  }
0x96: {  	_ =	strace s5  }
0x97: {  	s5 =	sld [smem:$0x3FFD];
	_ =	sdelay $0x3  }
0x98: {  	_ =	strace s5  }
0x99: {  	_ =	strace $0x8FFFFFFF  }
0x9a: {  	s24 =	sld [smem:$0x3FDB];
	_ =	sdelay $0x2  }
0x9b: {  	s6 =	simm.s32 $_scs_section_size;
	s7 =	simm.s32 $_tile_overlayer_lowered  }
0x9c: {  	s25 =	simm.s32 $_size__tile_overlayer_lowered;
	s7 =	sshll.u32 s7, $0x1;
	s5 =	sadd.s32 s6, s24  }
0x9d: {  	s8 =	simm.s32 $0x1BFF;
	s6 =	sshll.u32 s25, $0x1;
	s7 =	sadd.s32 s7, s5  }
0x9e: {  	[timem:s1], [sflag:s8] =	dma.local [hbm:s7], s6  }
0x9f: {  	_ =	swait.ge [sflag:s8], s6  }
0xa0: {  	s6 =	ssub.s32 $0x0, s6;
	[sflag:s8] =	ssyncset.done $0x0  }
0xa1: {  	[sflag:s8] =	ssyncadd.s32 s6;
	_ =	sdelay $0x1  }
0xa2: {  	s26 =	simm.s32 $0x1B8B  }
0xa3: {  	_ =	swait.ge [sflag:s26], $0x1  }
0xa4: {  	[sflag:s26] =	ssyncset.done $0x0  }
0xa5: {  	s28 =	simm.s32 $0x1B8E;
	[sflag:s26] =	ssyncadd.s32 $0xFFFFFFFF  }
0xa6: {  	s29 =	simm.s32 $execute0_lowered;
	[smem:$0x3FD2] =	sst s28  }
0xa7: {  	s6 =	sshll.u32 s29, $0x1;
	_ =	strace $0x80000046;
	[dreg:$0x1] =	wrdreg $0xFFFFFFFF  }
0xa8: {  	s30 =	simm.s32 $_size_execute0_lowered;
	s5 =	sadd.s32 s5, s6;
	[dreg:$0x0] =	wrdreg $0x0  }
0xa9: {  	s6 =	sshll.u32 s30, $0x1;
	[dreg:$0x2] =	wrdreg s5  }
0xaa: {  	[dreg:$0x3] =	wrdreg s6  }
0xab: {  	[dreg:$0x4] =	wrdreg $0xC0  }
0xac: {  	_ =	task [dreg:s1], $0x5FFFF  }
0xad: {  	s16 =	simm.s32 $0xA;
	s9 =	simm.s32 $0xB;
	[dreg:$0x1] =	wrdreg $0xFFFFFFFF  }
0xae: {  	s10 =	simm.s32 $0x8000;
	s12 =	simm.s32 $0xC;
	[dreg:$0x0] =	wrdreg $0x60  }
0xaf: {  	s13 =	simm.s32 $0x10000;
	s31 =	sshll.u32 s0, $0x12;
	[dreg:$0x2] =	wrdreg s4  }
0xb0: {  	s14 =	simm.s32 $0xD;
	s17 =	sor.u32 $0x8000, s31;
	[dreg:$0x3] =	wrdreg s3  }
0xb1: {  	s19 =	sor.u32 $0x10000, s31;
	s20 =	sor.u32 $0x18000, s31;
	[dreg:$0x4] =	wrdreg $0x9  }
0xb2: {  	s15 =	sadd.s32 s31, s4;
	s18 =	sadd.s32 s17, s4;
	_ =	task.clear_ibuf [dreg:s1], $0x5FFFF  }
0xb3: {  	[spmem:s1], [sflag:s16] =	dma.local [hbm:s15], $0x8000  }
0xb4: {  	s11 =	sadd.s32 s19, s4;
	s4 =	sadd.s32 s20, s4;
	s15 =	simm.s32 $0x18000  }
0xb5: {  	[spmem:s10], [sflag:s9] =	dma.local [hbm:s18], $0x8000  }
0xb6: {  	[spmem:s13], [sflag:s12] =	dma.local [hbm:s11], $0x8000  }
0xb7: {  	[spmem:s15], [sflag:s14] =	dma.local [hbm:s4], $0x8000  }
0xb8: {  	_ =	swait.ge [sflag:s16], $0x8000  }
0xb9: {  	[sflag:s16] =	ssyncset.done $0x0  }
0xba: {  	[sflag:s16] =	ssyncadd.s32 $0xFFFF8000  }
0xbb: {  	s22 =	simm.s32 $0xE;
	s21 =	sadd.s32 s31, s3  }
0xbc: {  	[hbm:s21], [sflag:s22] =	dma.local [spmem:s1], $0x8000  }
0xbd: {  	_ =	swait.ge [sflag:s9], $0x8000  }
0xbe: {  	[sflag:s9] =	ssyncset.done $0x0  }
0xbf: {  	[sflag:s9] =	ssyncadd.s32 $0xFFFF8000  }
0xc0: {  	s23 =	sadd.s32 s17, s3;
	s24 =	simm.s32 $0xF  }
0xc1: {  	[hbm:s23], [sflag:s24] =	dma.local [spmem:s10], $0x8000  }
0xc2: {  	_ =	swait.ge [sflag:s12], $0x8000  }
0xc3: {  	[sflag:s12] =	ssyncset.done $0x0  }
0xc4: {  	[sflag:s12] =	ssyncadd.s32 $0xFFFF8000  }
0xc5: {  	s25 =	sadd.s32 s19, s3;
	s26 =	simm.s32 $0x10  }
0xc6: {  	[hbm:s25], [sflag:s26] =	dma.local [spmem:s13], $0x8000  }
0xc7: {  	_ =	swait.ge [sflag:s14], $0x8000  }
0xc8: {  	[sflag:s14] =	ssyncset.done $0x0  }
0xc9: {  	[sflag:s14] =	ssyncadd.s32 $0xFFFF8000  }
0xca: {  	s28 =	simm.s32 $0x11;
	s3 =	sadd.s32 s20, s3  }
0xcb: {  	[hbm:s3], [sflag:s28] =	dma.local [spmem:s15], $0x8000  }
0xcc: {  	_ =	swait.ge [sflag:s22], $0x8000  }
0xcd: {  	[sflag:s22] =	ssyncset.done $0x0  }
0xce: {  	[sflag:s22] =	ssyncadd.s32 $0xFFFF8000;
	_ =	sdelay $0x2  }
0xcf: {  	_ =	swait.ge [sflag:s24], $0x8000  }
0xd0: {  	[sflag:s24] =	ssyncset.done $0x0  }
0xd1: {  	[sflag:s24] =	ssyncadd.s32 $0xFFFF8000;
	_ =	sdelay $0x2  }
0xd2: {  	_ =	swait.ge [sflag:s26], $0x8000  }
0xd3: {  	[sflag:s26] =	ssyncset.done $0x0  }
0xd4: {  	[sflag:s26] =	ssyncadd.s32 $0xFFFF8000;
	_ =	sdelay $0x2  }
0xd5: {  	_ =	swait.ge [sflag:s28], $0x8000  }
0xd6: {  	[sflag:s28] =	ssyncset.done $0x0  }
0xd7: {  	[sflag:s28] =	ssyncadd.s32 $0xFFFF8000  }
0xd8: {  	_ =	strace $0x90000046  }
0xd9: {  	s29 =	simm.s32 $0x9;
	_ =	strace $0x80000048  }
0xda: {  	_ =	swait.ge [sflag:s29], $0x1  }
0xdb: {  	[sflag:s29] =	ssyncadd.s32 $0xFFFFFFFF  }
0xdc: {  	_ =	strace $0x90000048  }
0xdd: {  	_ =	sfence  }
0xde: {  	s30 =	sld [smem:$0x0];
	_ =	sdelay $0x2  }
0xdf: {  	s31 =	sshll.u32 s2, $0xD;
	s2 =	sshrl.u32 s2, $0x2  }
0xe0: {  	s4 =	sand.u32 $0x4000, s31;
	s2 =	sadd.s32 s2, s30  }
0xe1: {  	s0 =	sor.u32 s4, s0;
	s2 =	sshll.u32 s2, $0x11  }
0xe2: {  	s0 =	sor.u32 s2, s0  }
0xe3: {  	s0 =	sadd.s32 $0x8F2B, s0  }
0xe4: {  	[sflag:s0] =	ssyncadd.remote.s32 $0x1  }
0xe5: {  	_ =	sfence.sel $0xFFFF  }
0xe6: {  	[dreg:$0x0] =	wrdreg $0xFFFFFFFF;
	(pc) =	sbr.abs _section_cstart, $3  }
0xe7: {  	[dreg:$0x1] =	wrdreg $0xFFFFFFFF  }
0xe8: {  	_ =	task.clear_ibuf [dreg:s1], $0x2FFFF;
	_ =	strace $0x9FFFFFFF  }
0xe9: {  	(tm) =	ssettm $0x7FFFFFFF  }
tec
execute0_lowered:
.L_overlay_start_1:
0x0: {  	(tag) =	ssettag $0x1  }
0x1: {  	s9 =	rddreg [dreg:$0x0];
	s2 =	srdreg.scid  }
0x2: {  	s18 =	rddreg [dreg:$0x1];
	s1 =	stileid.u32;
	s21 =	sand.u32 $0x1, s2  }
0x3: {  	s2 =	simm.s32 $0x0;
	s4 =	sshll.u32 s1, $0xD;
	s3 =	sshll.u32 s21, $0x12  }
0x4: {  	[smem:$0x7FF] =	sst s2;
	s8 =	sor.u32 s4, s3  }
0x5: {  	s0 =	rddreg [dreg:$0x2];
	_ =	strace $0x80000047;
	s12 =	sor.u32 $0x20000, s8  }
0x6: {  	s4 =	simm.s32 $0x10000;
	s14 =	sor.u32 $0x20800, s8;
	s3 =	sadd.s32 s9, s12  }
0x7: {  	[tilespmem:s4], [sflag:$0x1] =	stream.linear.gather [hbm4b:s3+s2], $0x4000, $0x38;
	v63 =	vld [tilespmem:$0x0]  }
0x8: {  	s6 =	simm.s32 $0x14000;
	s16 =	sor.u32 $0x21000, s8;
	s5 =	sadd.s32 s9, s14  }
0x9: {  	[tilespmem:s6], [sflag:$0x2] =	stream.linear.gather [hbm4b:s5+s2], $0x4000, $0x38;
	v63 =	vld [tilespmem:$0x0]  }
0xa: {  	s19 =	sor.u32 $0x21800, s8;
	s8 =	simm.s32 $0x18000;
	s7 =	sadd.s32 s9, s16  }
0xb: {  	[tilespmem:s8], [sflag:$0x3] =	stream.linear.gather [hbm4b:s7+s2], $0x4000, $0x38;
	v63 =	vld [tilespmem:$0x0]  }
0xc: {  	s10 =	simm.s32 $0x1C000;
	s11 =	simm.s32 $0x1;
	s9 =	sadd.s32 s9, s19  }
0xd: {  	[tilespmem:s10], [sflag:$0x4] =	stream.linear.gather [hbm4b:s9+s2], $0x4000, $0x38;
	v63 =	vld [tilespmem:$0x0]  }
0xe: {  	_ =	swait.ge [sflag:s11], $0x4000  }
0xf: {  	[sflag:s11] =	ssyncset.done $0x0  }
0x10: {  	s13 =	simm.s32 $0x2;
	s12 =	sadd.s32 s18, s12;
	[sflag:s11] =	ssyncadd.s32 $0xFFFFC000  }
0x11: {  	[hbm4b:s12+s2] =	stream.linear.scatter [tilespmem:s4], [sflag:$0x5], $0x4000, $0x38;
	v63 =	vld [tilespmem:$0x0]  }
0x12: {  	_ =	swait.ge [sflag:s13], $0x4000  }
0x13: {  	[sflag:s13] =	ssyncset.done $0x0  }
0x14: {  	s15 =	simm.s32 $0x3;
	s14 =	sadd.s32 s18, s14;
	[sflag:s13] =	ssyncadd.s32 $0xFFFFC000  }
0x15: {  	[hbm4b:s14+s2] =	stream.linear.scatter [tilespmem:s6], [sflag:$0x6], $0x4000, $0x38;
	v63 =	vld [tilespmem:$0x0]  }
0x16: {  	_ =	swait.ge [sflag:s15], $0x4000  }
0x17: {  	[sflag:s15] =	ssyncset.done $0x0  }
0x18: {  	s17 =	simm.s32 $0x4;
	s16 =	sadd.s32 s18, s16;
	[sflag:s15] =	ssyncadd.s32 $0xFFFFC000  }
0x19: {  	[hbm4b:s16+s2] =	stream.linear.scatter [tilespmem:s8], [sflag:$0x7], $0x4000, $0x38;
	v63 =	vld [tilespmem:$0x0]  }
0x1a: {  	_ =	swait.ge [sflag:s17], $0x4000  }
0x1b: {  	[sflag:s17] =	ssyncset.done $0x0  }
0x1c: {  	s18 =	sadd.s32 s18, s19;
	s19 =	simm.s32 $0x5;
	[sflag:s17] =	ssyncadd.s32 $0xFFFFC000  }
0x1d: {  	[hbm4b:s18+s2] =	stream.linear.scatter [tilespmem:s10], [sflag:$0x8], $0x4000, $0x38;
	v63 =	vld [tilespmem:$0x0]  }
0x1e: {  	_ =	swait.ge [sflag:s19], $0x4000  }
0x1f: {  	s22 =	ssub.s32 $0x2, s21;
	[sflag:s19] =	ssyncset.done $0x0  }
0x20: {  	s20 =	simm.s32 $0x6;
	s23 =	sshrl.u32 s22, $0x1;
	[sflag:s19] =	ssyncadd.s32 $0xFFFFC000  }
0x21: {  	s22 =	ssub.s32 s22, s23;
	_ =	swait.ge [sflag:s20], $0x4000  }
0x22: {  	s23 =	smax.u32 s22, $0x1;
	[sflag:s20] =	ssyncset.done $0x0  }
0x23: {  	s21 =	simm.s32 $0x7;
	p0 =	sne.s32 s23, $0x1;
	[sflag:s20] =	ssyncadd.s32 $0xFFFFC000  }
.Ltmp0:
0x24: {  	_ =	swait.ge [sflag:s21], $0x4000;
	(pc) =	sbr.rel @!p0 .LBB2_2-.Ltmp0, $4  }
0x25: {  	[sflag:s21] =	ssyncset.done $0x0  }
0x26: {  	s22 =	simm.s32 $0x8;
	[sflag:s21] =	ssyncadd.s32 $0xFFFFC000  }
0x27: {  	_ =	swait.ge [sflag:s22], $0x4000  }
0x28: {  	s23 =	sadd.s32 $0xFFFFFFFF, s23;
	[sflag:s22] =	ssyncset.done $0x0  }
.LBB2_1:
0x29: {  	p0 =	sne.s32 s23, $0x1;
	s23 =	sadd.s32 $0xFFFFFFFF, s23;
	[sflag:s22] =	ssyncadd.s32 $0xFFFFC000  }
0x2a: {  	[tilespmem:s4], [sflag:$0x1] =	stream.linear.gather [hbm4b:s3+s2], $0x4000, $0x38;
	v63 =	vld [tilespmem:$0x0]  }
0x2b: {  	_ = 	snop  }
0x2c: {  	[tilespmem:s6], [sflag:$0x2] =	stream.linear.gather [hbm4b:s5+s2], $0x4000, $0x38;
	v63 =	vld [tilespmem:$0x0]  }
0x2d: {  	_ = 	snop  }
0x2e: {  	[tilespmem:s8], [sflag:$0x3] =	stream.linear.gather [hbm4b:s7+s2], $0x4000, $0x38;
	v63 =	vld [tilespmem:$0x0]  }
0x2f: {  	_ = 	snop  }
0x30: {  	[tilespmem:s10], [sflag:$0x4] =	stream.linear.gather [hbm4b:s9+s2], $0x4000, $0x38;
	v63 =	vld [tilespmem:$0x0]  }
0x31: {  	_ =	swait.ge [sflag:s11], $0x4000  }
0x32: {  	[sflag:s11] =	ssyncset.done $0x0  }
0x33: {  	[sflag:s11] =	ssyncadd.s32 $0xFFFFC000  }
0x34: {  	[hbm4b:s12+s2] =	stream.linear.scatter [tilespmem:s4], [sflag:$0x5], $0x4000, $0x38;
	v63 =	vld [tilespmem:$0x0]  }
0x35: {  	_ =	swait.ge [sflag:s13], $0x4000  }
0x36: {  	[sflag:s13] =	ssyncset.done $0x0  }
0x37: {  	[sflag:s13] =	ssyncadd.s32 $0xFFFFC000  }
0x38: {  	[hbm4b:s14+s2] =	stream.linear.scatter [tilespmem:s6], [sflag:$0x6], $0x4000, $0x38;
	v63 =	vld [tilespmem:$0x0]  }
0x39: {  	_ =	swait.ge [sflag:s15], $0x4000  }
0x3a: {  	[sflag:s15] =	ssyncset.done $0x0  }
0x3b: {  	[sflag:s15] =	ssyncadd.s32 $0xFFFFC000  }
0x3c: {  	[hbm4b:s16+s2] =	stream.linear.scatter [tilespmem:s8], [sflag:$0x7], $0x4000, $0x38;
	v63 =	vld [tilespmem:$0x0]  }
0x3d: {  	_ =	swait.ge [sflag:s17], $0x4000  }
0x3e: {  	[sflag:s17] =	ssyncset.done $0x0  }
0x3f: {  	[sflag:s17] =	ssyncadd.s32 $0xFFFFC000  }
0x40: {  	[hbm4b:s18+s2] =	stream.linear.scatter [tilespmem:s10], [sflag:$0x8], $0x4000, $0x38;
	v63 =	vld [tilespmem:$0x0]  }
0x41: {  	_ =	swait.ge [sflag:s19], $0x4000  }
0x42: {  	[sflag:s19] =	ssyncset.done $0x0  }
0x43: {  	[sflag:s19] =	ssyncadd.s32 $0xFFFFC000  }
0x44: {  	_ =	swait.ge [sflag:s20], $0x4000  }
0x45: {  	[sflag:s20] =	ssyncset.done $0x0  }
0x46: {  	[sflag:s20] =	ssyncadd.s32 $0xFFFFC000  }
.Ltmp1:
0x47: {  	_ =	swait.ge [sflag:s21], $0x4000;
	(pc) =	sbr.rel @p0 .LBB2_1-.Ltmp1, $4  }
0x48: {  	[sflag:s21] =	ssyncset.done $0x0  }
0x49: {  	[sflag:s21] =	ssyncadd.s32 $0xFFFFC000  }
0x4a: {  	_ =	swait.ge [sflag:s22], $0x4000  }
0x4b: {  	[sflag:s22] =	ssyncset.done $0x0  }
.LBB2_2:
0x4c: {  	[sflag:s22] =	ssyncadd.s32 $0xFFFFC000  }
0x4d: {  	_ =	sfence.sel $0x180000  }
0x4e: {  	[bflag:$0x0] =	sbarrier.arrive $0xFFFF  }
0x4f: {  	p0 =	sne.s32 s1, $0x0;
	_ =	strace $0x90000047  }
0x50: {  	s0 =	sadd.s32 @!p0 $0x100000, s0;
	[bflag:$0x2] =	sbarrier.arrive $0xFFFF  }
0x51: {  	[sflag:s0] =	ssyncadd.tile.s32 @!p0 $0x1;
	_ =	shalt  }
.Lfunc_end2:
_tile_overlayer_lowered:
.L_overlay_start_2:
0x52: {  	(tag) =	ssettag $0x2  }
0x53: {  	s0 =	rddreg [dreg:$0x0];
	s2 =	stileid.u32  }
0x54: {  	s1 =	rddreg [dreg:$0x1];
	p0 =	sne.s32 s2, $0x0  }
0x55: {  	s3 =	rddreg [dreg:$0x2];
	[bflag:$0x3] =	sbarrier.arrive $0xFFFF;
	s2 =	simm.s32 @!p0 $0x1C09  }
0x56: {  	[timem:s3], [sflag:s2] =	dma.local @!p0 [hbm:s0], s1  }
0x57: {  	s0 =	simm.s32 @!p0 $0x9  }
0x58: {  	_ =	swait.ge @!p0 [sflag:s0], s1  }
0x59: {  	s1 =	ssub.s32 @!p0 $0x0, s1;
	[sflag:s0] =	ssyncset.done @!p0 $0x0  }
0x5a: {  	[sflag:s0] =	ssyncadd.s32 @!p0 s1  }
0x5b: {  	[bflag:$0x3] =	sbarrier.arrive $0xFFFF  }
0x5c: {  	_ =	shalt  }

</sc_bundles>
